<compile_context>
chip_gen: v7x
topology: tpu7x:2x2x1
jax: 0.10.2.dev20260603
libtpu: 0.0.44.dev20260713+nightly
codegen_flags: <defaults>
</compile_context>

<pallas_src>
import functools

import jax
import jax.numpy as jnp
from jax import lax
from jax.experimental import pallas as pl
from jax.experimental.pallas import tpu as pltpu
from jax.experimental.pallas import tpu_sc as plsc


def _build_sc_kernel(n_rows: int, depth: int):
    L = (n_rows + 1) // 2
    n_db = depth // 8
    n_jb = L // 128
    n_q = (L - 128) // 128 + 16
    w_trs = n_rows - 7
    info = plsc.get_sparse_core_info()
    nc, ns = info.num_cores, info.num_subcores
    nw = nc * ns
    res_per_w = 128 // nw
    rows_per_res = L // 128

    mesh = plsc.VectorSubcoreMesh(core_axis_name="c", subcore_axis_name="s")

    @functools.partial(
        pl.kernel,
        mesh=mesh,
        out_type=jax.ShapeDtypeStruct((L, n_db, n_jb, 8, 128), jnp.float32),
        scratch_types=[
            pltpu.VMEM((2, n_q, depth, 128), jnp.float32),
            pltpu.SemaphoreType.DMA,
            pltpu.SemaphoreType.DMA,
            pltpu.SemaphoreType.DMA,
        ],
        compiler_params=pltpu.CompilerParams(use_tc_tiling_on_sc=False),
    )
    def k(trs_hbm, out_hbm, tt_v, semb0, semb1, semo):
        wid = lax.axis_index("s") * nc + lax.axis_index("c")
        semb = (semb0, semb1)

        def fire_build(rho, buf):
            delta = rho % 8
            rho8 = pl.multiple_of(rho - delta, 8)

            def body(q, carry):
                pltpu.async_copy(
                    trs_hbm.at[delta, :, pl.ds(rho8 + 128 * q, 128)],
                    tt_v.at[buf, q],
                    semb[buf],
                )
                return carry

            lax.fori_loop(0, n_q, body, 0)

        def wait_build(buf):
            def body(q, carry):
                pltpu.make_async_copy(
                    trs_hbm.at[0, :, pl.ds(0, 128)], tt_v.at[buf, 0], semb[buf]
                ).wait()
                return carry

            lax.fori_loop(0, n_q, body, 0)

        def fire_outs(rho, buf):
            def body(q0, carry):
                i = (L - 1) - rho - 128 * q0
                for db in range(n_db):
                    pltpu.async_copy(
                        tt_v.at[buf, pl.ds(q0, n_jb), pl.ds(db * 8, 8), :],
                        out_hbm.at[i, db],
                        semo,
                    )
                return carry

            lax.fori_loop(0, rows_per_res, body, 0)

        def drain_outs():
            def body(q0, carry):
                pltpu.make_async_copy(
                    tt_v.at[0, pl.ds(0, n_jb), pl.ds(0, 8), :],
                    out_hbm.at[0, 0],
                    semo,
                ).wait()
                return carry

            lax.fori_loop(0, rows_per_res * n_db, body, 0)

        fire_build(res_per_w * wid, 0)
        for kres in range(res_per_w):
            buf = kres & 1
            rho = res_per_w * wid + kres
            wait_build(buf)
            if kres + 1 < res_per_w:
                fire_build(rho + 1, 1 - buf)
            fire_outs(rho, buf)
            drain_outs()

    return k


def kernel(length, rel_embeddings):
    n_rows, depth = rel_embeddings.shape
    L = (n_rows + 1) // 2
    w_trs = n_rows - 7
    tr = jnp.flip(rel_embeddings, axis=0).T
    trs = jnp.stack([tr[:, s : s + w_trs] for s in range(8)])
    out5 = _build_sc_kernel(n_rows, depth)(trs)
    return jnp.transpose(out5, (0, 2, 4, 1, 3)).reshape(L, L, depth)

# --- scband reference (transcript-rebuilt; emitter-appended) ---
"""Pipeline reference for scband-relative-position-encoding-57277683860113 (READ-ONLY COPY).

The authoritative reference and input builder live on the scoring server;
editing this copy changes nothing except your own understanding.
"""

import jax, jax.numpy as jnp
import numpy as np

MAX_POSITION = 2048
DEPTH = 16


def setup_inputs(seed: int = 0) -> dict:
    key = jax.random.key(seed)
    n_rows = 2 * MAX_POSITION - 1
    # glorot_uniform init: limit = sqrt(6 / (fan_in + fan_out))
    limit = float(np.sqrt(6.0 / (n_rows + DEPTH)))
    rel_embeddings = jax.random.uniform(
        key, (n_rows, DEPTH), dtype=jnp.float32, minval=-limit, maxval=limit
    )
    return {"length": 2048, "rel_embeddings": rel_embeddings}


def reference(length, rel_embeddings):
    # pos_emb = gather(rel_embeddings, range(L)[:,None] - range(L)[None,:] + max_position - 1)
    static_length = (rel_embeddings.shape[0] + 1) // 2
    r = jnp.arange(static_length) + (length - length)
    idx = r[:, None] - r[None, :] + MAX_POSITION - 1  # [L, L], values in [0, 2*max_position-2]
    pos_emb = jnp.take(rel_embeddings, idx, axis=0)  # [L, L, depth]
    return pos_emb

if __name__ == "__main__":
    import jax
    _d = setup_inputs()
    print(jax.jit(kernel)(*tuple(_d.values())))

</pallas_src>

<mosaic_0001>
#map = affine_map<(d0, d1) -> (0, 0, 0)>
#map1 = affine_map<(d0, d1) -> (0, 0, 0, 0, 0)>
module attributes {stable_mosaic.version = 14 : i64} {
  func.func @k(%arg0: i32, %arg1: i32, %arg2: memref<8x16x4088xf32, #tpu.memory_space<hbm>>, %arg3: memref<2048x2x16x8x128xf32, #tpu.memory_space<hbm>>, %arg4: memref<2x31x16x128xf32, #tpu.memory_space<vmem>>, %arg5: memref<!tpu.dma_semaphore, #tpu.memory_space<semaphore_mem>>, %arg6: memref<!tpu.dma_semaphore, #tpu.memory_space<semaphore_mem>>, %arg7: memref<!tpu.dma_semaphore, #tpu.memory_space<semaphore_mem>>) attributes {dimension_semantics = [#tpu.dimension_semantics<core_parallel>, #tpu.dimension_semantics<subcore_parallel>], iteration_bounds = array<i64: 2, 16>, scalar_prefetch = 0 : i64, scratch_operands = 4 : i64, tpu.core_type = #tpu.core_type<sc_vector_subcore>, window_params = [{transform_indices = #map}, {transform_indices = #map1}]} {
    %mul3A = arith.constant 2 : i32
    %mul3A_0 = arith.muli %arg1, %mul3A : i32
    %add3A = arith.addi %mul3A_0, %arg0 : i32
    %mul3A_1 = arith.constant 4 : i32
    %mul3A_2 = arith.muli %mul3A_1, %add3A : i32
    %jit3A = arith.constant 8 : i32
    %eq3A = arith.constant 0 : i32
    %eq3A_3 = arith.cmpi eq, %jit3A, %eq3A : i32
    %jit3A_4 = arith.constant 1 : i32
    %select_n3A = arith.select %eq3A_3, %jit3A_4, %jit3A : i32
    %rem3A = arith.remsi %mul3A_2, %select_n3A : i32
    %ne3A = arith.constant 0 : i32
    %ne3A_5 = arith.cmpi ne, %rem3A, %ne3A : i32
    %lt3A = arith.constant 0 : i32
    %lt3A_6 = arith.cmpi slt, %rem3A, %lt3A : i32
    %lt3A_7 = arith.constant 0 : i32
    %lt3A_8 = arith.cmpi slt, %select_n3A, %lt3A_7 : i32
    %ne3A_9 = arith.xori %lt3A_6, %lt3A_8 : i1
    %and3A = arith.andi %ne3A_9, %ne3A_5 : i1
    %add3A_10 = arith.addi %rem3A, %select_n3A : i32
    %select_n3A_11 = arith.select %and3A, %add3A_10, %rem3A : i32
    %sub3A = arith.subi %mul3A_2, %select_n3A_11 : i32
    %multiple_of3A = tpu.assume_multiple %sub3A, 8 : i32
    %scan3A = arith.constant 0 : i32
    %scan3A_12 = arith.constant 0 : i32
    %scan3A_13 = arith.constant 31 : i32
    %scan3A_14 = arith.addi %scan3A_12, %scan3A_13 : i32
    %scan3A_15 = arith.constant 1 : i32
    scf.for %scan3A_183 = %scan3A_12 to %scan3A_14 step %scan3A_15  : i32 {
      %mul3A_184 = arith.constant 128 : i32
      %mul3A_185 = arith.muli %mul3A_184, %scan3A_183 : i32
      %add3A_186 = arith.addi %multiple_of3A, %mul3A_185 : i32
      %dma_start3A = arith.constant 0 : i32
      %dma_start3A_187 = arith.constant 0 : i32
      %dma_start3A_188 = arith.constant 0 : i32
      %dma_start3A_189 = tpu.memref_slice %arg4[%dma_start3A, %scan3A_183, %dma_start3A_187, %dma_start3A_188] : memref<2x31x16x128xf32, #tpu.memory_space<vmem>> -> memref<1x1x16x128xf32, #tpu.memory_space<vmem>>
      %dma_start3A_190 = tpu.memref_squeeze %dma_start3A_189 : memref<1x1x16x128xf32, #tpu.memory_space<vmem>> -> memref<16x128xf32, #tpu.memory_space<vmem>>
      %dma_start3A_191 = arith.constant 0 : i32
      %dma_start3A_192 = tpu.memref_slice %arg2[%select_n3A_11, %dma_start3A_191, %add3A_186] : memref<8x16x4088xf32, #tpu.memory_space<hbm>> -> memref<1x16x128xf32, #tpu.memory_space<hbm>>
      %dma_start3A_193 = tpu.memref_squeeze %dma_start3A_192 : memref<1x16x128xf32, #tpu.memory_space<hbm>> -> memref<16x128xf32, #tpu.memory_space<hbm>>
      %dma_start3A_194 = arith.constant 0 : i32
      %dma_start3A_195 = arith.constant 0 : i32
      %dma_start3A_196 = tpu.memref_slice %arg4[%dma_start3A, %scan3A_183, %dma_start3A_194, %dma_start3A_195] : memref<2x31x16x128xf32, #tpu.memory_space<vmem>> -> memref<1x1x16x128xf32, #tpu.memory_space<vmem>>
      %dma_start3A_197 = tpu.memref_squeeze %dma_start3A_196 : memref<1x1x16x128xf32, #tpu.memory_space<vmem>> -> memref<16x128xf32, #tpu.memory_space<vmem>>
      %dma_start3A_198 = arith.constant 0 : i32
      %dma_start3A_199 = tpu.memref_slice %arg2[%select_n3A_11, %dma_start3A_198, %add3A_186] : memref<8x16x4088xf32, #tpu.memory_space<hbm>> -> memref<1x16x128xf32, #tpu.memory_space<hbm>>
      %dma_start3A_200 = tpu.memref_squeeze %dma_start3A_199 : memref<1x16x128xf32, #tpu.memory_space<hbm>> -> memref<16x128xf32, #tpu.memory_space<hbm>>
      tpu.enqueue_dma source(%dma_start3A_200 : memref<16x128xf32, #tpu.memory_space<hbm>>) target(%dma_start3A_197 : memref<16x128xf32, #tpu.memory_space<vmem>>) target_semaphore(%arg5 : memref<!tpu.dma_semaphore, #tpu.memory_space<semaphore_mem>>)
    }
    %scan3A_16 = arith.constant 31 : i32
    %mul3A_17 = arith.constant 4 : i32
    %mul3A_18 = arith.muli %mul3A_17, %add3A : i32
    %add3A_19 = arith.constant 0 : i32
    %add3A_20 = arith.addi %mul3A_18, %add3A_19 : i32
    %scan3A_21 = arith.constant 0 : i32
    %scan3A_22 = arith.constant 0 : i32
    %scan3A_23 = arith.constant 31 : i32
    %scan3A_24 = arith.addi %scan3A_22, %scan3A_23 : i32
    %scan3A_25 = arith.constant 1 : i32
    scf.for %scan3A_183 = %scan3A_22 to %scan3A_24 step %scan3A_25  : i32 {
      %dma_wait3A = arith.constant 0 : i32
      %dma_wait3A_184 = arith.constant 0 : i32
      %dma_wait3A_185 = arith.constant 0 : i32
      %dma_wait3A_186 = arith.constant 0 : i32
      %dma_wait3A_187 = arith.constant 0 : i32
      %dma_wait3A_188 = tpu.memref_slice %arg4[%dma_wait3A_184, %dma_wait3A_185, %dma_wait3A_186, %dma_wait3A_187] : memref<2x31x16x128xf32, #tpu.memory_space<vmem>> -> memref<1x1x16x128xf32, #tpu.memory_space<vmem>>
      %dma_wait3A_189 = tpu.memref_squeeze %dma_wait3A_188 : memref<1x1x16x128xf32, #tpu.memory_space<vmem>> -> memref<16x128xf32, #tpu.memory_space<vmem>>
      %dma_wait3A_190 = arith.constant 0 : i32
      %dma_wait3A_191 = arith.constant 0 : i32
      %dma_wait3A_192 = tpu.memref_slice %arg2[%dma_wait3A, %dma_wait3A_190, %dma_wait3A_191] : memref<8x16x4088xf32, #tpu.memory_space<hbm>> -> memref<1x16x128xf32, #tpu.memory_space<hbm>>
      %dma_wait3A_193 = tpu.memref_squeeze %dma_wait3A_192 : memref<1x16x128xf32, #tpu.memory_space<hbm>> -> memref<16x128xf32, #tpu.memory_space<hbm>>
      %dma_wait3A_194 = arith.constant 0 : i32
      %dma_wait3A_195 = arith.constant 0 : i32
      %dma_wait3A_196 = tpu.memref_slice %arg4[%dma_wait3A_184, %dma_wait3A_185, %dma_wait3A_194, %dma_wait3A_195] : memref<2x31x16x128xf32, #tpu.memory_space<vmem>> -> memref<1x1x16x128xf32, #tpu.memory_space<vmem>>
      %dma_wait3A_197 = tpu.memref_squeeze %dma_wait3A_196 : memref<1x1x16x128xf32, #tpu.memory_space<vmem>> -> memref<16x128xf32, #tpu.memory_space<vmem>>
      %dma_wait3A_198 = arith.constant 0 : i32
      %dma_wait3A_199 = arith.constant 0 : i32
      %dma_wait3A_200 = tpu.memref_slice %arg2[%dma_wait3A, %dma_wait3A_198, %dma_wait3A_199] : memref<8x16x4088xf32, #tpu.memory_space<hbm>> -> memref<1x16x128xf32, #tpu.memory_space<hbm>>
      %dma_wait3A_201 = tpu.memref_squeeze %dma_wait3A_200 : memref<1x16x128xf32, #tpu.memory_space<hbm>> -> memref<16x128xf32, #tpu.memory_space<hbm>>
      tpu.wait_dma2 semaphore(%arg5 : memref<!tpu.dma_semaphore, #tpu.memory_space<semaphore_mem>>) src(%dma_wait3A_201 : memref<16x128xf32, #tpu.memory_space<hbm>>) dst(%dma_wait3A_197 : memref<16x128xf32, #tpu.memory_space<vmem>>)
    }
    %scan3A_26 = arith.constant 31 : i32
    %add3A_27 = arith.constant 1 : i32
    %add3A_28 = arith.addi %add3A_20, %add3A_27 : i32
    %jit3A_29 = arith.constant 8 : i32
    %eq3A_30 = arith.constant 0 : i32
    %eq3A_31 = arith.cmpi eq, %jit3A_29, %eq3A_30 : i32
    %jit3A_32 = arith.constant 1 : i32
    %select_n3A_33 = arith.select %eq3A_31, %jit3A_32, %jit3A_29 : i32
    %rem3A_34 = arith.remsi %add3A_28, %select_n3A_33 : i32
    %ne3A_35 = arith.constant 0 : i32
    %ne3A_36 = arith.cmpi ne, %rem3A_34, %ne3A_35 : i32
    %lt3A_37 = arith.constant 0 : i32
    %lt3A_38 = arith.cmpi slt, %rem3A_34, %lt3A_37 : i32
    %lt3A_39 = arith.constant 0 : i32
    %lt3A_40 = arith.cmpi slt, %select_n3A_33, %lt3A_39 : i32
    %ne3A_41 = arith.xori %lt3A_38, %lt3A_40 : i1
    %and3A_42 = arith.andi %ne3A_41, %ne3A_36 : i1
    %add3A_43 = arith.addi %rem3A_34, %select_n3A_33 : i32
    %select_n3A_44 = arith.select %and3A_42, %add3A_43, %rem3A_34 : i32
    %sub3A_45 = arith.subi %add3A_28, %select_n3A_44 : i32
    %multiple_of3A_46 = tpu.assume_multiple %sub3A_45, 8 : i32
    %scan3A_47 = arith.constant 0 : i32
    %scan3A_48 = arith.constant 0 : i32
    %scan3A_49 = arith.constant 31 : i32
    %scan3A_50 = arith.addi %scan3A_48, %scan3A_49 : i32
    %scan3A_51 = arith.constant 1 : i32
    scf.for %scan3A_183 = %scan3A_48 to %scan3A_50 step %scan3A_51  : i32 {
      %mul3A_184 = arith.constant 128 : i32
      %mul3A_185 = arith.muli %mul3A_184, %scan3A_183 : i32
      %add3A_186 = arith.addi %multiple_of3A_46, %mul3A_185 : i32
      %dma_start3A = arith.constant 1 : i32
      %dma_start3A_187 = arith.constant 0 : i32
      %dma_start3A_188 = arith.constant 0 : i32
      %dma_start3A_189 = tpu.memref_slice %arg4[%dma_start3A, %scan3A_183, %dma_start3A_187, %dma_start3A_188] : memref<2x31x16x128xf32, #tpu.memory_space<vmem>> -> memref<1x1x16x128xf32, #tpu.memory_space<vmem>>
      %dma_start3A_190 = tpu.memref_squeeze %dma_start3A_189 : memref<1x1x16x128xf32, #tpu.memory_space<vmem>> -> memref<16x128xf32, #tpu.memory_space<vmem>>
      %dma_start3A_191 = arith.constant 0 : i32
      %dma_start3A_192 = tpu.memref_slice %arg2[%select_n3A_44, %dma_start3A_191, %add3A_186] : memref<8x16x4088xf32, #tpu.memory_space<hbm>> -> memref<1x16x128xf32, #tpu.memory_space<hbm>>
      %dma_start3A_193 = tpu.memref_squeeze %dma_start3A_192 : memref<1x16x128xf32, #tpu.memory_space<hbm>> -> memref<16x128xf32, #tpu.memory_space<hbm>>
      %dma_start3A_194 = arith.constant 0 : i32
      %dma_start3A_195 = arith.constant 0 : i32
      %dma_start3A_196 = tpu.memref_slice %arg4[%dma_start3A, %scan3A_183, %dma_start3A_194, %dma_start3A_195] : memref<2x31x16x128xf32, #tpu.memory_space<vmem>> -> memref<1x1x16x128xf32, #tpu.memory_space<vmem>>
      %dma_start3A_197 = tpu.memref_squeeze %dma_start3A_196 : memref<1x1x16x128xf32, #tpu.memory_space<vmem>> -> memref<16x128xf32, #tpu.memory_space<vmem>>
      %dma_start3A_198 = arith.constant 0 : i32
      %dma_start3A_199 = tpu.memref_slice %arg2[%select_n3A_44, %dma_start3A_198, %add3A_186] : memref<8x16x4088xf32, #tpu.memory_space<hbm>> -> memref<1x16x128xf32, #tpu.memory_space<hbm>>
      %dma_start3A_200 = tpu.memref_squeeze %dma_start3A_199 : memref<1x16x128xf32, #tpu.memory_space<hbm>> -> memref<16x128xf32, #tpu.memory_space<hbm>>
      tpu.enqueue_dma source(%dma_start3A_200 : memref<16x128xf32, #tpu.memory_space<hbm>>) target(%dma_start3A_197 : memref<16x128xf32, #tpu.memory_space<vmem>>) target_semaphore(%arg6 : memref<!tpu.dma_semaphore, #tpu.memory_space<semaphore_mem>>)
    }
    %scan3A_52 = arith.constant 31 : i32
    %scan3A_53 = arith.constant 0 : i32
    %scan3A_54 = arith.constant 0 : i32
    %scan3A_55 = arith.constant 16 : i32
    %scan3A_56 = arith.addi %scan3A_54, %scan3A_55 : i32
    %scan3A_57 = arith.constant 1 : i32
    scf.for %scan3A_183 = %scan3A_54 to %scan3A_56 step %scan3A_57  : i32 {
      %sub3A_184 = arith.constant 2047 : i32
      %sub3A_185 = arith.subi %sub3A_184, %add3A_20 : i32
      %mul3A_186 = arith.constant 128 : i32
      %mul3A_187 = arith.muli %mul3A_186, %scan3A_183 : i32
      %sub3A_188 = arith.subi %sub3A_185, %mul3A_187 : i32
      %dma_start3A = arith.constant 0 : i32
      %dma_start3A_189 = arith.constant 0 : i32
      %dma_start3A_190 = arith.constant 0 : i32
      %dma_start3A_191 = arith.constant 0 : i32
      %dma_start3A_192 = tpu.memref_slice %arg4[%dma_start3A, %scan3A_183, %dma_start3A_190, %dma_start3A_191] : memref<2x31x16x128xf32, #tpu.memory_space<vmem>> -> memref<1x16x8x128xf32, #tpu.memory_space<vmem>>
      %dma_start3A_193 = tpu.memref_squeeze %dma_start3A_192 : memref<1x16x8x128xf32, #tpu.memory_space<vmem>> -> memref<16x8x128xf32, #tpu.memory_space<vmem>>
      %dma_start3A_194 = arith.constant 0 : i32
      %dma_start3A_195 = arith.constant 0 : i32
      %dma_start3A_196 = arith.constant 0 : i32
      %dma_start3A_197 = tpu.memref_slice %arg3[%sub3A_188, %dma_start3A_189, %dma_start3A_194, %dma_start3A_195, %dma_start3A_196] : memref<2048x2x16x8x128xf32, #tpu.memory_space<hbm>> -> memref<1x1x16x8x128xf32, #tpu.memory_space<hbm>>
      %dma_start3A_198 = tpu.memref_squeeze %dma_start3A_197 : memref<1x1x16x8x128xf32, #tpu.memory_space<hbm>> -> memref<16x8x128xf32, #tpu.memory_space<hbm>>
      %dma_start3A_199 = arith.constant 0 : i32
      %dma_start3A_200 = arith.constant 0 : i32
      %dma_start3A_201 = arith.constant 0 : i32
      %dma_start3A_202 = tpu.memref_slice %arg3[%sub3A_188, %dma_start3A_189, %dma_start3A_199, %dma_start3A_200, %dma_start3A_201] : memref<2048x2x16x8x128xf32, #tpu.memory_space<hbm>> -> memref<1x1x16x8x128xf32, #tpu.memory_space<hbm>>
      %dma_start3A_203 = tpu.memref_squeeze %dma_start3A_202 : memref<1x1x16x8x128xf32, #tpu.memory_space<hbm>> -> memref<16x8x128xf32, #tpu.memory_space<hbm>>
      %dma_start3A_204 = arith.constant 0 : i32
      %dma_start3A_205 = arith.constant 0 : i32
      %dma_start3A_206 = tpu.memref_slice %arg4[%dma_start3A, %scan3A_183, %dma_start3A_204, %dma_start3A_205] : memref<2x31x16x128xf32, #tpu.memory_space<vmem>> -> memref<1x16x8x128xf32, #tpu.memory_space<vmem>>
      %dma_start3A_207 = tpu.memref_squeeze %dma_start3A_206 : memref<1x16x8x128xf32, #tpu.memory_space<vmem>> -> memref<16x8x128xf32, #tpu.memory_space<vmem>>
      tpu.enqueue_dma source(%dma_start3A_207 : memref<16x8x128xf32, #tpu.memory_space<vmem>>) target(%dma_start3A_203 : memref<16x8x128xf32, #tpu.memory_space<hbm>>) target_semaphore(%arg7 : memref<!tpu.dma_semaphore, #tpu.memory_space<semaphore_mem>>)
      %dma_start3A_208 = arith.constant 0 : i32
      %dma_start3A_209 = arith.constant 1 : i32
      %dma_start3A_210 = arith.constant 8 : i32
      %dma_start3A_211 = arith.constant 0 : i32
      %dma_start3A_212 = tpu.memref_slice %arg4[%dma_start3A_208, %scan3A_183, %dma_start3A_210, %dma_start3A_211] : memref<2x31x16x128xf32, #tpu.memory_space<vmem>> -> memref<1x16x8x128xf32, #tpu.memory_space<vmem>>
      %dma_start3A_213 = tpu.memref_squeeze %dma_start3A_212 : memref<1x16x8x128xf32, #tpu.memory_space<vmem>> -> memref<16x8x128xf32, #tpu.memory_space<vmem>>
      %dma_start3A_214 = arith.constant 0 : i32
      %dma_start3A_215 = arith.constant 0 : i32
      %dma_start3A_216 = arith.constant 0 : i32
      %dma_start3A_217 = tpu.memref_slice %arg3[%sub3A_188, %dma_start3A_209, %dma_start3A_214, %dma_start3A_215, %dma_start3A_216] : memref<2048x2x16x8x128xf32, #tpu.memory_space<hbm>> -> memref<1x1x16x8x128xf32, #tpu.memory_space<hbm>>
      %dma_start3A_218 = tpu.memref_squeeze %dma_start3A_217 : memref<1x1x16x8x128xf32, #tpu.memory_space<hbm>> -> memref<16x8x128xf32, #tpu.memory_space<hbm>>
      %dma_start3A_219 = arith.constant 0 : i32
      %dma_start3A_220 = arith.constant 0 : i32
      %dma_start3A_221 = arith.constant 0 : i32
      %dma_start3A_222 = tpu.memref_slice %arg3[%sub3A_188, %dma_start3A_209, %dma_start3A_219, %dma_start3A_220, %dma_start3A_221] : memref<2048x2x16x8x128xf32, #tpu.memory_space<hbm>> -> memref<1x1x16x8x128xf32, #tpu.memory_space<hbm>>
      %dma_start3A_223 = tpu.memref_squeeze %dma_start3A_222 : memref<1x1x16x8x128xf32, #tpu.memory_space<hbm>> -> memref<16x8x128xf32, #tpu.memory_space<hbm>>
      %dma_start3A_224 = arith.constant 8 : i32
      %dma_start3A_225 = arith.constant 0 : i32
      %dma_start3A_226 = tpu.memref_slice %arg4[%dma_start3A_208, %scan3A_183, %dma_start3A_224, %dma_start3A_225] : memref<2x31x16x128xf32, #tpu.memory_space<vmem>> -> memref<1x16x8x128xf32, #tpu.memory_space<vmem>>
      %dma_start3A_227 = tpu.memref_squeeze %dma_start3A_226 : memref<1x16x8x128xf32, #tpu.memory_space<vmem>> -> memref<16x8x128xf32, #tpu.memory_space<vmem>>
      tpu.enqueue_dma source(%dma_start3A_227 : memref<16x8x128xf32, #tpu.memory_space<vmem>>) target(%dma_start3A_223 : memref<16x8x128xf32, #tpu.memory_space<hbm>>) target_semaphore(%arg7 : memref<!tpu.dma_semaphore, #tpu.memory_space<semaphore_mem>>)
    }
    %scan3A_58 = arith.constant 16 : i32
    %scan3A_59 = arith.constant 0 : i32
    %scan3A_60 = arith.constant 0 : i32
    %scan3A_61 = arith.constant 32 : i32
    %scan3A_62 = arith.addi %scan3A_60, %scan3A_61 : i32
    %scan3A_63 = arith.constant 1 : i32
    scf.for %scan3A_183 = %scan3A_60 to %scan3A_62 step %scan3A_63  : i32 {
      %dma_wait3A = arith.constant 0 : i32
      %dma_wait3A_184 = arith.constant 0 : i32
      %dma_wait3A_185 = arith.constant 0 : i32
      %dma_wait3A_186 = arith.constant 0 : i32
      %dma_wait3A_187 = arith.constant 0 : i32
      %dma_wait3A_188 = arith.constant 0 : i32
      %dma_wait3A_189 = tpu.memref_slice %arg4[%dma_wait3A, %dma_wait3A_186, %dma_wait3A_187, %dma_wait3A_188] : memref<2x31x16x128xf32, #tpu.memory_space<vmem>> -> memref<1x16x8x128xf32, #tpu.memory_space<vmem>>
      %dma_wait3A_190 = tpu.memref_squeeze %dma_wait3A_189 : memref<1x16x8x128xf32, #tpu.memory_space<vmem>> -> memref<16x8x128xf32, #tpu.memory_space<vmem>>
      %dma_wait3A_191 = arith.constant 0 : i32
      %dma_wait3A_192 = arith.constant 0 : i32
      %dma_wait3A_193 = arith.constant 0 : i32
      %dma_wait3A_194 = tpu.memref_slice %arg3[%dma_wait3A_184, %dma_wait3A_185, %dma_wait3A_191, %dma_wait3A_192, %dma_wait3A_193] : memref<2048x2x16x8x128xf32, #tpu.memory_space<hbm>> -> memref<1x1x16x8x128xf32, #tpu.memory_space<hbm>>
      %dma_wait3A_195 = tpu.memref_squeeze %dma_wait3A_194 : memref<1x1x16x8x128xf32, #tpu.memory_space<hbm>> -> memref<16x8x128xf32, #tpu.memory_space<hbm>>
      %dma_wait3A_196 = arith.constant 0 : i32
      %dma_wait3A_197 = arith.constant 0 : i32
      %dma_wait3A_198 = arith.constant 0 : i32
      %dma_wait3A_199 = tpu.memref_slice %arg3[%dma_wait3A_184, %dma_wait3A_185, %dma_wait3A_196, %dma_wait3A_197, %dma_wait3A_198] : memref<2048x2x16x8x128xf32, #tpu.memory_space<hbm>> -> memref<1x1x16x8x128xf32, #tpu.memory_space<hbm>>
      %dma_wait3A_200 = tpu.memref_squeeze %dma_wait3A_199 : memref<1x1x16x8x128xf32, #tpu.memory_space<hbm>> -> memref<16x8x128xf32, #tpu.memory_space<hbm>>
      %dma_wait3A_201 = arith.constant 0 : i32
      %dma_wait3A_202 = arith.constant 0 : i32
      %dma_wait3A_203 = arith.constant 0 : i32
      %dma_wait3A_204 = tpu.memref_slice %arg4[%dma_wait3A, %dma_wait3A_201, %dma_wait3A_202, %dma_wait3A_203] : memref<2x31x16x128xf32, #tpu.memory_space<vmem>> -> memref<1x16x8x128xf32, #tpu.memory_space<vmem>>
      %dma_wait3A_205 = tpu.memref_squeeze %dma_wait3A_204 : memref<1x16x8x128xf32, #tpu.memory_space<vmem>> -> memref<16x8x128xf32, #tpu.memory_space<vmem>>
      tpu.wait_dma2 semaphore(%arg7 : memref<!tpu.dma_semaphore, #tpu.memory_space<semaphore_mem>>) src(%dma_wait3A_205 : memref<16x8x128xf32, #tpu.memory_space<vmem>>) dst(%dma_wait3A_200 : memref<16x8x128xf32, #tpu.memory_space<hbm>>)
    }
    %scan3A_64 = arith.constant 32 : i32
    %mul3A_65 = arith.constant 4 : i32
    %mul3A_66 = arith.muli %mul3A_65, %add3A : i32
    %add3A_67 = arith.constant 1 : i32
    %add3A_68 = arith.addi %mul3A_66, %add3A_67 : i32
    %scan3A_69 = arith.constant 0 : i32
    %scan3A_70 = arith.constant 0 : i32
    %scan3A_71 = arith.constant 31 : i32
    %scan3A_72 = arith.addi %scan3A_70, %scan3A_71 : i32
    %scan3A_73 = arith.constant 1 : i32
    scf.for %scan3A_183 = %scan3A_70 to %scan3A_72 step %scan3A_73  : i32 {
      %dma_wait3A = arith.constant 0 : i32
      %dma_wait3A_184 = arith.constant 1 : i32
      %dma_wait3A_185 = arith.constant 0 : i32
      %dma_wait3A_186 = arith.constant 0 : i32
      %dma_wait3A_187 = arith.constant 0 : i32
      %dma_wait3A_188 = tpu.memref_slice %arg4[%dma_wait3A_184, %dma_wait3A_185, %dma_wait3A_186, %dma_wait3A_187] : memref<2x31x16x128xf32, #tpu.memory_space<vmem>> -> memref<1x1x16x128xf32, #tpu.memory_space<vmem>>
      %dma_wait3A_189 = tpu.memref_squeeze %dma_wait3A_188 : memref<1x1x16x128xf32, #tpu.memory_space<vmem>> -> memref<16x128xf32, #tpu.memory_space<vmem>>
      %dma_wait3A_190 = arith.constant 0 : i32
      %dma_wait3A_191 = arith.constant 0 : i32
      %dma_wait3A_192 = tpu.memref_slice %arg2[%dma_wait3A, %dma_wait3A_190, %dma_wait3A_191] : memref<8x16x4088xf32, #tpu.memory_space<hbm>> -> memref<1x16x128xf32, #tpu.memory_space<hbm>>
      %dma_wait3A_193 = tpu.memref_squeeze %dma_wait3A_192 : memref<1x16x128xf32, #tpu.memory_space<hbm>> -> memref<16x128xf32, #tpu.memory_space<hbm>>
      %dma_wait3A_194 = arith.constant 0 : i32
      %dma_wait3A_195 = arith.constant 0 : i32
      %dma_wait3A_196 = tpu.memref_slice %arg4[%dma_wait3A_184, %dma_wait3A_185, %dma_wait3A_194, %dma_wait3A_195] : memref<2x31x16x128xf32, #tpu.memory_space<vmem>> -> memref<1x1x16x128xf32, #tpu.memory_space<vmem>>
      %dma_wait3A_197 = tpu.memref_squeeze %dma_wait3A_196 : memref<1x1x16x128xf32, #tpu.memory_space<vmem>> -> memref<16x128xf32, #tpu.memory_space<vmem>>
      %dma_wait3A_198 = arith.constant 0 : i32
      %dma_wait3A_199 = arith.constant 0 : i32
      %dma_wait3A_200 = tpu.memref_slice %arg2[%dma_wait3A, %dma_wait3A_198, %dma_wait3A_199] : memref<8x16x4088xf32, #tpu.memory_space<hbm>> -> memref<1x16x128xf32, #tpu.memory_space<hbm>>
      %dma_wait3A_201 = tpu.memref_squeeze %dma_wait3A_200 : memref<1x16x128xf32, #tpu.memory_space<hbm>> -> memref<16x128xf32, #tpu.memory_space<hbm>>
      tpu.wait_dma2 semaphore(%arg6 : memref<!tpu.dma_semaphore, #tpu.memory_space<semaphore_mem>>) src(%dma_wait3A_201 : memref<16x128xf32, #tpu.memory_space<hbm>>) dst(%dma_wait3A_197 : memref<16x128xf32, #tpu.memory_space<vmem>>)
    }
    %scan3A_74 = arith.constant 31 : i32
    %add3A_75 = arith.constant 1 : i32
    %add3A_76 = arith.addi %add3A_68, %add3A_75 : i32
    %jit3A_77 = arith.constant 8 : i32
    %eq3A_78 = arith.constant 0 : i32
    %eq3A_79 = arith.cmpi eq, %jit3A_77, %eq3A_78 : i32
    %jit3A_80 = arith.constant 1 : i32
    %select_n3A_81 = arith.select %eq3A_79, %jit3A_80, %jit3A_77 : i32
    %rem3A_82 = arith.remsi %add3A_76, %select_n3A_81 : i32
    %ne3A_83 = arith.constant 0 : i32
    %ne3A_84 = arith.cmpi ne, %rem3A_82, %ne3A_83 : i32
    %lt3A_85 = arith.constant 0 : i32
    %lt3A_86 = arith.cmpi slt, %rem3A_82, %lt3A_85 : i32
    %lt3A_87 = arith.constant 0 : i32
    %lt3A_88 = arith.cmpi slt, %select_n3A_81, %lt3A_87 : i32
    %ne3A_89 = arith.xori %lt3A_86, %lt3A_88 : i1
    %and3A_90 = arith.andi %ne3A_89, %ne3A_84 : i1
    %add3A_91 = arith.addi %rem3A_82, %select_n3A_81 : i32
    %select_n3A_92 = arith.select %and3A_90, %add3A_91, %rem3A_82 : i32
    %sub3A_93 = arith.subi %add3A_76, %select_n3A_92 : i32
    %multiple_of3A_94 = tpu.assume_multiple %sub3A_93, 8 : i32
    %scan3A_95 = arith.constant 0 : i32
    %scan3A_96 = arith.constant 0 : i32
    %scan3A_97 = arith.constant 31 : i32
    %scan3A_98 = arith.addi %scan3A_96, %scan3A_97 : i32
    %scan3A_99 = arith.constant 1 : i32
    scf.for %scan3A_183 = %scan3A_96 to %scan3A_98 step %scan3A_99  : i32 {
      %mul3A_184 = arith.constant 128 : i32
      %mul3A_185 = arith.muli %mul3A_184, %scan3A_183 : i32
      %add3A_186 = arith.addi %multiple_of3A_94, %mul3A_185 : i32
      %dma_start3A = arith.constant 0 : i32
      %dma_start3A_187 = arith.constant 0 : i32
      %dma_start3A_188 = arith.constant 0 : i32
      %dma_start3A_189 = tpu.memref_slice %arg4[%dma_start3A, %scan3A_183, %dma_start3A_187, %dma_start3A_188] : memref<2x31x16x128xf32, #tpu.memory_space<vmem>> -> memref<1x1x16x128xf32, #tpu.memory_space<vmem>>
      %dma_start3A_190 = tpu.memref_squeeze %dma_start3A_189 : memref<1x1x16x128xf32, #tpu.memory_space<vmem>> -> memref<16x128xf32, #tpu.memory_space<vmem>>
      %dma_start3A_191 = arith.constant 0 : i32
      %dma_start3A_192 = tpu.memref_slice %arg2[%select_n3A_92, %dma_start3A_191, %add3A_186] : memref<8x16x4088xf32, #tpu.memory_space<hbm>> -> memref<1x16x128xf32, #tpu.memory_space<hbm>>
      %dma_start3A_193 = tpu.memref_squeeze %dma_start3A_192 : memref<1x16x128xf32, #tpu.memory_space<hbm>> -> memref<16x128xf32, #tpu.memory_space<hbm>>
      %dma_start3A_194 = arith.constant 0 : i32
      %dma_start3A_195 = arith.constant 0 : i32
      %dma_start3A_196 = tpu.memref_slice %arg4[%dma_start3A, %scan3A_183, %dma_start3A_194, %dma_start3A_195] : memref<2x31x16x128xf32, #tpu.memory_space<vmem>> -> memref<1x1x16x128xf32, #tpu.memory_space<vmem>>
      %dma_start3A_197 = tpu.memref_squeeze %dma_start3A_196 : memref<1x1x16x128xf32, #tpu.memory_space<vmem>> -> memref<16x128xf32, #tpu.memory_space<vmem>>
      %dma_start3A_198 = arith.constant 0 : i32
      %dma_start3A_199 = tpu.memref_slice %arg2[%select_n3A_92, %dma_start3A_198, %add3A_186] : memref<8x16x4088xf32, #tpu.memory_space<hbm>> -> memref<1x16x128xf32, #tpu.memory_space<hbm>>
      %dma_start3A_200 = tpu.memref_squeeze %dma_start3A_199 : memref<1x16x128xf32, #tpu.memory_space<hbm>> -> memref<16x128xf32, #tpu.memory_space<hbm>>
      tpu.enqueue_dma source(%dma_start3A_200 : memref<16x128xf32, #tpu.memory_space<hbm>>) target(%dma_start3A_197 : memref<16x128xf32, #tpu.memory_space<vmem>>) target_semaphore(%arg5 : memref<!tpu.dma_semaphore, #tpu.memory_space<semaphore_mem>>)
    }
    %scan3A_100 = arith.constant 31 : i32
    %scan3A_101 = arith.constant 0 : i32
    %scan3A_102 = arith.constant 0 : i32
    %scan3A_103 = arith.constant 16 : i32
    %scan3A_104 = arith.addi %scan3A_102, %scan3A_103 : i32
    %scan3A_105 = arith.constant 1 : i32
    scf.for %scan3A_183 = %scan3A_102 to %scan3A_104 step %scan3A_105  : i32 {
      %sub3A_184 = arith.constant 2047 : i32
      %sub3A_185 = arith.subi %sub3A_184, %add3A_68 : i32
      %mul3A_186 = arith.constant 128 : i32
      %mul3A_187 = arith.muli %mul3A_186, %scan3A_183 : i32
      %sub3A_188 = arith.subi %sub3A_185, %mul3A_187 : i32
      %dma_start3A = arith.constant 1 : i32
      %dma_start3A_189 = arith.constant 0 : i32
      %dma_start3A_190 = arith.constant 0 : i32
      %dma_start3A_191 = arith.constant 0 : i32
      %dma_start3A_192 = tpu.memref_slice %arg4[%dma_start3A, %scan3A_183, %dma_start3A_190, %dma_start3A_191] : memref<2x31x16x128xf32, #tpu.memory_space<vmem>> -> memref<1x16x8x128xf32, #tpu.memory_space<vmem>>
      %dma_start3A_193 = tpu.memref_squeeze %dma_start3A_192 : memref<1x16x8x128xf32, #tpu.memory_space<vmem>> -> memref<16x8x128xf32, #tpu.memory_space<vmem>>
      %dma_start3A_194 = arith.constant 0 : i32
      %dma_start3A_195 = arith.constant 0 : i32
      %dma_start3A_196 = arith.constant 0 : i32
      %dma_start3A_197 = tpu.memref_slice %arg3[%sub3A_188, %dma_start3A_189, %dma_start3A_194, %dma_start3A_195, %dma_start3A_196] : memref<2048x2x16x8x128xf32, #tpu.memory_space<hbm>> -> memref<1x1x16x8x128xf32, #tpu.memory_space<hbm>>
      %dma_start3A_198 = tpu.memref_squeeze %dma_start3A_197 : memref<1x1x16x8x128xf32, #tpu.memory_space<hbm>> -> memref<16x8x128xf32, #tpu.memory_space<hbm>>
      %dma_start3A_199 = arith.constant 0 : i32
      %dma_start3A_200 = arith.constant 0 : i32
      %dma_start3A_201 = arith.constant 0 : i32
      %dma_start3A_202 = tpu.memref_slice %arg3[%sub3A_188, %dma_start3A_189, %dma_start3A_199, %dma_start3A_200, %dma_start3A_201] : memref<2048x2x16x8x128xf32, #tpu.memory_space<hbm>> -> memref<1x1x16x8x128xf32, #tpu.memory_space<hbm>>
      %dma_start3A_203 = tpu.memref_squeeze %dma_start3A_202 : memref<1x1x16x8x128xf32, #tpu.memory_space<hbm>> -> memref<16x8x128xf32, #tpu.memory_space<hbm>>
      %dma_start3A_204 = arith.constant 0 : i32
      %dma_start3A_205 = arith.constant 0 : i32
      %dma_start3A_206 = tpu.memref_slice %arg4[%dma_start3A, %scan3A_183, %dma_start3A_204, %dma_start3A_205] : memref<2x31x16x128xf32, #tpu.memory_space<vmem>> -> memref<1x16x8x128xf32, #tpu.memory_space<vmem>>
      %dma_start3A_207 = tpu.memref_squeeze %dma_start3A_206 : memref<1x16x8x128xf32, #tpu.memory_space<vmem>> -> memref<16x8x128xf32, #tpu.memory_space<vmem>>
      tpu.enqueue_dma source(%dma_start3A_207 : memref<16x8x128xf32, #tpu.memory_space<vmem>>) target(%dma_start3A_203 : memref<16x8x128xf32, #tpu.memory_space<hbm>>) target_semaphore(%arg7 : memref<!tpu.dma_semaphore, #tpu.memory_space<semaphore_mem>>)
      %dma_start3A_208 = arith.constant 1 : i32
      %dma_start3A_209 = arith.constant 1 : i32
      %dma_start3A_210 = arith.constant 8 : i32
      %dma_start3A_211 = arith.constant 0 : i32
      %dma_start3A_212 = tpu.memref_slice %arg4[%dma_start3A_208, %scan3A_183, %dma_start3A_210, %dma_start3A_211] : memref<2x31x16x128xf32, #tpu.memory_space<vmem>> -> memref<1x16x8x128xf32, #tpu.memory_space<vmem>>
      %dma_start3A_213 = tpu.memref_squeeze %dma_start3A_212 : memref<1x16x8x128xf32, #tpu.memory_space<vmem>> -> memref<16x8x128xf32, #tpu.memory_space<vmem>>
      %dma_start3A_214 = arith.constant 0 : i32
      %dma_start3A_215 = arith.constant 0 : i32
      %dma_start3A_216 = arith.constant 0 : i32
      %dma_start3A_217 = tpu.memref_slice %arg3[%sub3A_188, %dma_start3A_209, %dma_start3A_214, %dma_start3A_215, %dma_start3A_216] : memref<2048x2x16x8x128xf32, #tpu.memory_space<hbm>> -> memref<1x1x16x8x128xf32, #tpu.memory_space<hbm>>
      %dma_start3A_218 = tpu.memref_squeeze %dma_start3A_217 : memref<1x1x16x8x128xf32, #tpu.memory_space<hbm>> -> memref<16x8x128xf32, #tpu.memory_space<hbm>>
      %dma_start3A_219 = arith.constant 0 : i32
      %dma_start3A_220 = arith.constant 0 : i32
      %dma_start3A_221 = arith.constant 0 : i32
      %dma_start3A_222 = tpu.memref_slice %arg3[%sub3A_188, %dma_start3A_209, %dma_start3A_219, %dma_start3A_220, %dma_start3A_221] : memref<2048x2x16x8x128xf32, #tpu.memory_space<hbm>> -> memref<1x1x16x8x128xf32, #tpu.memory_space<hbm>>
      %dma_start3A_223 = tpu.memref_squeeze %dma_start3A_222 : memref<1x1x16x8x128xf32, #tpu.memory_space<hbm>> -> memref<16x8x128xf32, #tpu.memory_space<hbm>>
      %dma_start3A_224 = arith.constant 8 : i32
      %dma_start3A_225 = arith.constant 0 : i32
      %dma_start3A_226 = tpu.memref_slice %arg4[%dma_start3A_208, %scan3A_183, %dma_start3A_224, %dma_start3A_225] : memref<2x31x16x128xf32, #tpu.memory_space<vmem>> -> memref<1x16x8x128xf32, #tpu.memory_space<vmem>>
      %dma_start3A_227 = tpu.memref_squeeze %dma_start3A_226 : memref<1x16x8x128xf32, #tpu.memory_space<vmem>> -> memref<16x8x128xf32, #tpu.memory_space<vmem>>
      tpu.enqueue_dma source(%dma_start3A_227 : memref<16x8x128xf32, #tpu.memory_space<vmem>>) target(%dma_start3A_223 : memref<16x8x128xf32, #tpu.memory_space<hbm>>) target_semaphore(%arg7 : memref<!tpu.dma_semaphore, #tpu.memory_space<semaphore_mem>>)
    }
    %scan3A_106 = arith.constant 16 : i32
    %scan3A_107 = arith.constant 0 : i32
    %scan3A_108 = arith.constant 0 : i32
    %scan3A_109 = arith.constant 32 : i32
    %scan3A_110 = arith.addi %scan3A_108, %scan3A_109 : i32
    %scan3A_111 = arith.constant 1 : i32
    scf.for %scan3A_183 = %scan3A_108 to %scan3A_110 step %scan3A_111  : i32 {
      %dma_wait3A = arith.constant 0 : i32
      %dma_wait3A_184 = arith.constant 0 : i32
      %dma_wait3A_185 = arith.constant 0 : i32
      %dma_wait3A_186 = arith.constant 0 : i32
      %dma_wait3A_187 = arith.constant 0 : i32
      %dma_wait3A_188 = arith.constant 0 : i32
      %dma_wait3A_189 = tpu.memref_slice %arg4[%dma_wait3A, %dma_wait3A_186, %dma_wait3A_187, %dma_wait3A_188] : memref<2x31x16x128xf32, #tpu.memory_space<vmem>> -> memref<1x16x8x128xf32, #tpu.memory_space<vmem>>
      %dma_wait3A_190 = tpu.memref_squeeze %dma_wait3A_189 : memref<1x16x8x128xf32, #tpu.memory_space<vmem>> -> memref<16x8x128xf32, #tpu.memory_space<vmem>>
      %dma_wait3A_191 = arith.constant 0 : i32
      %dma_wait3A_192 = arith.constant 0 : i32
      %dma_wait3A_193 = arith.constant 0 : i32
      %dma_wait3A_194 = tpu.memref_slice %arg3[%dma_wait3A_184, %dma_wait3A_185, %dma_wait3A_191, %dma_wait3A_192, %dma_wait3A_193] : memref<2048x2x16x8x128xf32, #tpu.memory_space<hbm>> -> memref<1x1x16x8x128xf32, #tpu.memory_space<hbm>>
      %dma_wait3A_195 = tpu.memref_squeeze %dma_wait3A_194 : memref<1x1x16x8x128xf32, #tpu.memory_space<hbm>> -> memref<16x8x128xf32, #tpu.memory_space<hbm>>
      %dma_wait3A_196 = arith.constant 0 : i32
      %dma_wait3A_197 = arith.constant 0 : i32
      %dma_wait3A_198 = arith.constant 0 : i32
      %dma_wait3A_199 = tpu.memref_slice %arg3[%dma_wait3A_184, %dma_wait3A_185, %dma_wait3A_196, %dma_wait3A_197, %dma_wait3A_198] : memref<2048x2x16x8x128xf32, #tpu.memory_space<hbm>> -> memref<1x1x16x8x128xf32, #tpu.memory_space<hbm>>
      %dma_wait3A_200 = tpu.memref_squeeze %dma_wait3A_199 : memref<1x1x16x8x128xf32, #tpu.memory_space<hbm>> -> memref<16x8x128xf32, #tpu.memory_space<hbm>>
      %dma_wait3A_201 = arith.constant 0 : i32
      %dma_wait3A_202 = arith.constant 0 : i32
      %dma_wait3A_203 = arith.constant 0 : i32
      %dma_wait3A_204 = tpu.memref_slice %arg4[%dma_wait3A, %dma_wait3A_201, %dma_wait3A_202, %dma_wait3A_203] : memref<2x31x16x128xf32, #tpu.memory_space<vmem>> -> memref<1x16x8x128xf32, #tpu.memory_space<vmem>>
      %dma_wait3A_205 = tpu.memref_squeeze %dma_wait3A_204 : memref<1x16x8x128xf32, #tpu.memory_space<vmem>> -> memref<16x8x128xf32, #tpu.memory_space<vmem>>
      tpu.wait_dma2 semaphore(%arg7 : memref<!tpu.dma_semaphore, #tpu.memory_space<semaphore_mem>>) src(%dma_wait3A_205 : memref<16x8x128xf32, #tpu.memory_space<vmem>>) dst(%dma_wait3A_200 : memref<16x8x128xf32, #tpu.memory_space<hbm>>)
    }
    %scan3A_112 = arith.constant 32 : i32
    %mul3A_113 = arith.constant 4 : i32
    %mul3A_114 = arith.muli %mul3A_113, %add3A : i32
    %add3A_115 = arith.constant 2 : i32
    %add3A_116 = arith.addi %mul3A_114, %add3A_115 : i32
    %scan3A_117 = arith.constant 0 : i32
    %scan3A_118 = arith.constant 0 : i32
    %scan3A_119 = arith.constant 31 : i32
    %scan3A_120 = arith.addi %scan3A_118, %scan3A_119 : i32
    %scan3A_121 = arith.constant 1 : i32
    scf.for %scan3A_183 = %scan3A_118 to %scan3A_120 step %scan3A_121  : i32 {
      %dma_wait3A = arith.constant 0 : i32
      %dma_wait3A_184 = arith.constant 0 : i32
      %dma_wait3A_185 = arith.constant 0 : i32
      %dma_wait3A_186 = arith.constant 0 : i32
      %dma_wait3A_187 = arith.constant 0 : i32
      %dma_wait3A_188 = tpu.memref_slice %arg4[%dma_wait3A_184, %dma_wait3A_185, %dma_wait3A_186, %dma_wait3A_187] : memref<2x31x16x128xf32, #tpu.memory_space<vmem>> -> memref<1x1x16x128xf32, #tpu.memory_space<vmem>>
      %dma_wait3A_189 = tpu.memref_squeeze %dma_wait3A_188 : memref<1x1x16x128xf32, #tpu.memory_space<vmem>> -> memref<16x128xf32, #tpu.memory_space<vmem>>
      %dma_wait3A_190 = arith.constant 0 : i32
      %dma_wait3A_191 = arith.constant 0 : i32
      %dma_wait3A_192 = tpu.memref_slice %arg2[%dma_wait3A, %dma_wait3A_190, %dma_wait3A_191] : memref<8x16x4088xf32, #tpu.memory_space<hbm>> -> memref<1x16x128xf32, #tpu.memory_space<hbm>>
      %dma_wait3A_193 = tpu.memref_squeeze %dma_wait3A_192 : memref<1x16x128xf32, #tpu.memory_space<hbm>> -> memref<16x128xf32, #tpu.memory_space<hbm>>
      %dma_wait3A_194 = arith.constant 0 : i32
      %dma_wait3A_195 = arith.constant 0 : i32
      %dma_wait3A_196 = tpu.memref_slice %arg4[%dma_wait3A_184, %dma_wait3A_185, %dma_wait3A_194, %dma_wait3A_195] : memref<2x31x16x128xf32, #tpu.memory_space<vmem>> -> memref<1x1x16x128xf32, #tpu.memory_space<vmem>>
      %dma_wait3A_197 = tpu.memref_squeeze %dma_wait3A_196 : memref<1x1x16x128xf32, #tpu.memory_space<vmem>> -> memref<16x128xf32, #tpu.memory_space<vmem>>
      %dma_wait3A_198 = arith.constant 0 : i32
      %dma_wait3A_199 = arith.constant 0 : i32
      %dma_wait3A_200 = tpu.memref_slice %arg2[%dma_wait3A, %dma_wait3A_198, %dma_wait3A_199] : memref<8x16x4088xf32, #tpu.memory_space<hbm>> -> memref<1x16x128xf32, #tpu.memory_space<hbm>>
      %dma_wait3A_201 = tpu.memref_squeeze %dma_wait3A_200 : memref<1x16x128xf32, #tpu.memory_space<hbm>> -> memref<16x128xf32, #tpu.memory_space<hbm>>
      tpu.wait_dma2 semaphore(%arg5 : memref<!tpu.dma_semaphore, #tpu.memory_space<semaphore_mem>>) src(%dma_wait3A_201 : memref<16x128xf32, #tpu.memory_space<hbm>>) dst(%dma_wait3A_197 : memref<16x128xf32, #tpu.memory_space<vmem>>)
    }
    %scan3A_122 = arith.constant 31 : i32
    %add3A_123 = arith.constant 1 : i32
    %add3A_124 = arith.addi %add3A_116, %add3A_123 : i32
    %jit3A_125 = arith.constant 8 : i32
    %eq3A_126 = arith.constant 0 : i32
    %eq3A_127 = arith.cmpi eq, %jit3A_125, %eq3A_126 : i32
    %jit3A_128 = arith.constant 1 : i32
    %select_n3A_129 = arith.select %eq3A_127, %jit3A_128, %jit3A_125 : i32
    %rem3A_130 = arith.remsi %add3A_124, %select_n3A_129 : i32
    %ne3A_131 = arith.constant 0 : i32
    %ne3A_132 = arith.cmpi ne, %rem3A_130, %ne3A_131 : i32
    %lt3A_133 = arith.constant 0 : i32
    %lt3A_134 = arith.cmpi slt, %rem3A_130, %lt3A_133 : i32
    %lt3A_135 = arith.constant 0 : i32
    %lt3A_136 = arith.cmpi slt, %select_n3A_129, %lt3A_135 : i32
    %ne3A_137 = arith.xori %lt3A_134, %lt3A_136 : i1
    %and3A_138 = arith.andi %ne3A_137, %ne3A_132 : i1
    %add3A_139 = arith.addi %rem3A_130, %select_n3A_129 : i32
    %select_n3A_140 = arith.select %and3A_138, %add3A_139, %rem3A_130 : i32
    %sub3A_141 = arith.subi %add3A_124, %select_n3A_140 : i32
    %multiple_of3A_142 = tpu.assume_multiple %sub3A_141, 8 : i32
    %scan3A_143 = arith.constant 0 : i32
    %scan3A_144 = arith.constant 0 : i32
    %scan3A_145 = arith.constant 31 : i32
    %scan3A_146 = arith.addi %scan3A_144, %scan3A_145 : i32
    %scan3A_147 = arith.constant 1 : i32
    scf.for %scan3A_183 = %scan3A_144 to %scan3A_146 step %scan3A_147  : i32 {
      %mul3A_184 = arith.constant 128 : i32
      %mul3A_185 = arith.muli %mul3A_184, %scan3A_183 : i32
      %add3A_186 = arith.addi %multiple_of3A_142, %mul3A_185 : i32
      %dma_start3A = arith.constant 1 : i32
      %dma_start3A_187 = arith.constant 0 : i32
      %dma_start3A_188 = arith.constant 0 : i32
      %dma_start3A_189 = tpu.memref_slice %arg4[%dma_start3A, %scan3A_183, %dma_start3A_187, %dma_start3A_188] : memref<2x31x16x128xf32, #tpu.memory_space<vmem>> -> memref<1x1x16x128xf32, #tpu.memory_space<vmem>>
      %dma_start3A_190 = tpu.memref_squeeze %dma_start3A_189 : memref<1x1x16x128xf32, #tpu.memory_space<vmem>> -> memref<16x128xf32, #tpu.memory_space<vmem>>
      %dma_start3A_191 = arith.constant 0 : i32
      %dma_start3A_192 = tpu.memref_slice %arg2[%select_n3A_140, %dma_start3A_191, %add3A_186] : memref<8x16x4088xf32, #tpu.memory_space<hbm>> -> memref<1x16x128xf32, #tpu.memory_space<hbm>>
      %dma_start3A_193 = tpu.memref_squeeze %dma_start3A_192 : memref<1x16x128xf32, #tpu.memory_space<hbm>> -> memref<16x128xf32, #tpu.memory_space<hbm>>
      %dma_start3A_194 = arith.constant 0 : i32
      %dma_start3A_195 = arith.constant 0 : i32
      %dma_start3A_196 = tpu.memref_slice %arg4[%dma_start3A, %scan3A_183, %dma_start3A_194, %dma_start3A_195] : memref<2x31x16x128xf32, #tpu.memory_space<vmem>> -> memref<1x1x16x128xf32, #tpu.memory_space<vmem>>
      %dma_start3A_197 = tpu.memref_squeeze %dma_start3A_196 : memref<1x1x16x128xf32, #tpu.memory_space<vmem>> -> memref<16x128xf32, #tpu.memory_space<vmem>>
      %dma_start3A_198 = arith.constant 0 : i32
      %dma_start3A_199 = tpu.memref_slice %arg2[%select_n3A_140, %dma_start3A_198, %add3A_186] : memref<8x16x4088xf32, #tpu.memory_space<hbm>> -> memref<1x16x128xf32, #tpu.memory_space<hbm>>
      %dma_start3A_200 = tpu.memref_squeeze %dma_start3A_199 : memref<1x16x128xf32, #tpu.memory_space<hbm>> -> memref<16x128xf32, #tpu.memory_space<hbm>>
      tpu.enqueue_dma source(%dma_start3A_200 : memref<16x128xf32, #tpu.memory_space<hbm>>) target(%dma_start3A_197 : memref<16x128xf32, #tpu.memory_space<vmem>>) target_semaphore(%arg6 : memref<!tpu.dma_semaphore, #tpu.memory_space<semaphore_mem>>)
    }
    %scan3A_148 = arith.constant 31 : i32
    %scan3A_149 = arith.constant 0 : i32
    %scan3A_150 = arith.constant 0 : i32
    %scan3A_151 = arith.constant 16 : i32
    %scan3A_152 = arith.addi %scan3A_150, %scan3A_151 : i32
    %scan3A_153 = arith.constant 1 : i32
    scf.for %scan3A_183 = %scan3A_150 to %scan3A_152 step %scan3A_153  : i32 {
      %sub3A_184 = arith.constant 2047 : i32
      %sub3A_185 = arith.subi %sub3A_184, %add3A_116 : i32
      %mul3A_186 = arith.constant 128 : i32
      %mul3A_187 = arith.muli %mul3A_186, %scan3A_183 : i32
      %sub3A_188 = arith.subi %sub3A_185, %mul3A_187 : i32
      %dma_start3A = arith.constant 0 : i32
      %dma_start3A_189 = arith.constant 0 : i32
      %dma_start3A_190 = arith.constant 0 : i32
      %dma_start3A_191 = arith.constant 0 : i32
      %dma_start3A_192 = tpu.memref_slice %arg4[%dma_start3A, %scan3A_183, %dma_start3A_190, %dma_start3A_191] : memref<2x31x16x128xf32, #tpu.memory_space<vmem>> -> memref<1x16x8x128xf32, #tpu.memory_space<vmem>>
      %dma_start3A_193 = tpu.memref_squeeze %dma_start3A_192 : memref<1x16x8x128xf32, #tpu.memory_space<vmem>> -> memref<16x8x128xf32, #tpu.memory_space<vmem>>
      %dma_start3A_194 = arith.constant 0 : i32
      %dma_start3A_195 = arith.constant 0 : i32
      %dma_start3A_196 = arith.constant 0 : i32
      %dma_start3A_197 = tpu.memref_slice %arg3[%sub3A_188, %dma_start3A_189, %dma_start3A_194, %dma_start3A_195, %dma_start3A_196] : memref<2048x2x16x8x128xf32, #tpu.memory_space<hbm>> -> memref<1x1x16x8x128xf32, #tpu.memory_space<hbm>>
      %dma_start3A_198 = tpu.memref_squeeze %dma_start3A_197 : memref<1x1x16x8x128xf32, #tpu.memory_space<hbm>> -> memref<16x8x128xf32, #tpu.memory_space<hbm>>
      %dma_start3A_199 = arith.constant 0 : i32
      %dma_start3A_200 = arith.constant 0 : i32
      %dma_start3A_201 = arith.constant 0 : i32
      %dma_start3A_202 = tpu.memref_slice %arg3[%sub3A_188, %dma_start3A_189, %dma_start3A_199, %dma_start3A_200, %dma_start3A_201] : memref<2048x2x16x8x128xf32, #tpu.memory_space<hbm>> -> memref<1x1x16x8x128xf32, #tpu.memory_space<hbm>>
      %dma_start3A_203 = tpu.memref_squeeze %dma_start3A_202 : memref<1x1x16x8x128xf32, #tpu.memory_space<hbm>> -> memref<16x8x128xf32, #tpu.memory_space<hbm>>
      %dma_start3A_204 = arith.constant 0 : i32
      %dma_start3A_205 = arith.constant 0 : i32
      %dma_start3A_206 = tpu.memref_slice %arg4[%dma_start3A, %scan3A_183, %dma_start3A_204, %dma_start3A_205] : memref<2x31x16x128xf32, #tpu.memory_space<vmem>> -> memref<1x16x8x128xf32, #tpu.memory_space<vmem>>
      %dma_start3A_207 = tpu.memref_squeeze %dma_start3A_206 : memref<1x16x8x128xf32, #tpu.memory_space<vmem>> -> memref<16x8x128xf32, #tpu.memory_space<vmem>>
      tpu.enqueue_dma source(%dma_start3A_207 : memref<16x8x128xf32, #tpu.memory_space<vmem>>) target(%dma_start3A_203 : memref<16x8x128xf32, #tpu.memory_space<hbm>>) target_semaphore(%arg7 : memref<!tpu.dma_semaphore, #tpu.memory_space<semaphore_mem>>)
      %dma_start3A_208 = arith.constant 0 : i32
      %dma_start3A_209 = arith.constant 1 : i32
      %dma_start3A_210 = arith.constant 8 : i32
      %dma_start3A_211 = arith.constant 0 : i32
      %dma_start3A_212 = tpu.memref_slice %arg4[%dma_start3A_208, %scan3A_183, %dma_start3A_210, %dma_start3A_211] : memref<2x31x16x128xf32, #tpu.memory_space<vmem>> -> memref<1x16x8x128xf32, #tpu.memory_space<vmem>>
      %dma_start3A_213 = tpu.memref_squeeze %dma_start3A_212 : memref<1x16x8x128xf32, #tpu.memory_space<vmem>> -> memref<16x8x128xf32, #tpu.memory_space<vmem>>
      %dma_start3A_214 = arith.constant 0 : i32
      %dma_start3A_215 = arith.constant 0 : i32
      %dma_start3A_216 = arith.constant 0 : i32
      %dma_start3A_217 = tpu.memref_slice %arg3[%sub3A_188, %dma_start3A_209, %dma_start3A_214, %dma_start3A_215, %dma_start3A_216] : memref<2048x2x16x8x128xf32, #tpu.memory_space<hbm>> -> memref<1x1x16x8x128xf32, #tpu.memory_space<hbm>>
      %dma_start3A_218 = tpu.memref_squeeze %dma_start3A_217 : memref<1x1x16x8x128xf32, #tpu.memory_space<hbm>> -> memref<16x8x128xf32, #tpu.memory_space<hbm>>
      %dma_start3A_219 = arith.constant 0 : i32
      %dma_start3A_220 = arith.constant 0 : i32
      %dma_start3A_221 = arith.constant 0 : i32
      %dma_start3A_222 = tpu.memref_slice %arg3[%sub3A_188, %dma_start3A_209, %dma_start3A_219, %dma_start3A_220, %dma_start3A_221] : memref<2048x2x16x8x128xf32, #tpu.memory_space<hbm>> -> memref<1x1x16x8x128xf32, #tpu.memory_space<hbm>>
      %dma_start3A_223 = tpu.memref_squeeze %dma_start3A_222 : memref<1x1x16x8x128xf32, #tpu.memory_space<hbm>> -> memref<16x8x128xf32, #tpu.memory_space<hbm>>
      %dma_start3A_224 = arith.constant 8 : i32
      %dma_start3A_225 = arith.constant 0 : i32
      %dma_start3A_226 = tpu.memref_slice %arg4[%dma_start3A_208, %scan3A_183, %dma_start3A_224, %dma_start3A_225] : memref<2x31x16x128xf32, #tpu.memory_space<vmem>> -> memref<1x16x8x128xf32, #tpu.memory_space<vmem>>
      %dma_start3A_227 = tpu.memref_squeeze %dma_start3A_226 : memref<1x16x8x128xf32, #tpu.memory_space<vmem>> -> memref<16x8x128xf32, #tpu.memory_space<vmem>>
      tpu.enqueue_dma source(%dma_start3A_227 : memref<16x8x128xf32, #tpu.memory_space<vmem>>) target(%dma_start3A_223 : memref<16x8x128xf32, #tpu.memory_space<hbm>>) target_semaphore(%arg7 : memref<!tpu.dma_semaphore, #tpu.memory_space<semaphore_mem>>)
    }
    %scan3A_154 = arith.constant 16 : i32
    %scan3A_155 = arith.constant 0 : i32
    %scan3A_156 = arith.constant 0 : i32
    %scan3A_157 = arith.constant 32 : i32
    %scan3A_158 = arith.addi %scan3A_156, %scan3A_157 : i32
    %scan3A_159 = arith.constant 1 : i32
    scf.for %scan3A_183 = %scan3A_156 to %scan3A_158 step %scan3A_159  : i32 {
      %dma_wait3A = arith.constant 0 : i32
      %dma_wait3A_184 = arith.constant 0 : i32
      %dma_wait3A_185 = arith.constant 0 : i32
      %dma_wait3A_186 = arith.constant 0 : i32
      %dma_wait3A_187 = arith.constant 0 : i32
      %dma_wait3A_188 = arith.constant 0 : i32
      %dma_wait3A_189 = tpu.memref_slice %arg4[%dma_wait3A, %dma_wait3A_186, %dma_wait3A_187, %dma_wait3A_188] : memref<2x31x16x128xf32, #tpu.memory_space<vmem>> -> memref<1x16x8x128xf32, #tpu.memory_space<vmem>>
      %dma_wait3A_190 = tpu.memref_squeeze %dma_wait3A_189 : memref<1x16x8x128xf32, #tpu.memory_space<vmem>> -> memref<16x8x128xf32, #tpu.memory_space<vmem>>
      %dma_wait3A_191 = arith.constant 0 : i32
      %dma_wait3A_192 = arith.constant 0 : i32
      %dma_wait3A_193 = arith.constant 0 : i32
      %dma_wait3A_194 = tpu.memref_slice %arg3[%dma_wait3A_184, %dma_wait3A_185, %dma_wait3A_191, %dma_wait3A_192, %dma_wait3A_193] : memref<2048x2x16x8x128xf32, #tpu.memory_space<hbm>> -> memref<1x1x16x8x128xf32, #tpu.memory_space<hbm>>
      %dma_wait3A_195 = tpu.memref_squeeze %dma_wait3A_194 : memref<1x1x16x8x128xf32, #tpu.memory_space<hbm>> -> memref<16x8x128xf32, #tpu.memory_space<hbm>>
      %dma_wait3A_196 = arith.constant 0 : i32
      %dma_wait3A_197 = arith.constant 0 : i32
      %dma_wait3A_198 = arith.constant 0 : i32
      %dma_wait3A_199 = tpu.memref_slice %arg3[%dma_wait3A_184, %dma_wait3A_185, %dma_wait3A_196, %dma_wait3A_197, %dma_wait3A_198] : memref<2048x2x16x8x128xf32, #tpu.memory_space<hbm>> -> memref<1x1x16x8x128xf32, #tpu.memory_space<hbm>>
      %dma_wait3A_200 = tpu.memref_squeeze %dma_wait3A_199 : memref<1x1x16x8x128xf32, #tpu.memory_space<hbm>> -> memref<16x8x128xf32, #tpu.memory_space<hbm>>
      %dma_wait3A_201 = arith.constant 0 : i32
      %dma_wait3A_202 = arith.constant 0 : i32
      %dma_wait3A_203 = arith.constant 0 : i32
      %dma_wait3A_204 = tpu.memref_slice %arg4[%dma_wait3A, %dma_wait3A_201, %dma_wait3A_202, %dma_wait3A_203] : memref<2x31x16x128xf32, #tpu.memory_space<vmem>> -> memref<1x16x8x128xf32, #tpu.memory_space<vmem>>
      %dma_wait3A_205 = tpu.memref_squeeze %dma_wait3A_204 : memref<1x16x8x128xf32, #tpu.memory_space<vmem>> -> memref<16x8x128xf32, #tpu.memory_space<vmem>>
      tpu.wait_dma2 semaphore(%arg7 : memref<!tpu.dma_semaphore, #tpu.memory_space<semaphore_mem>>) src(%dma_wait3A_205 : memref<16x8x128xf32, #tpu.memory_space<vmem>>) dst(%dma_wait3A_200 : memref<16x8x128xf32, #tpu.memory_space<hbm>>)
    }
    %scan3A_160 = arith.constant 32 : i32
    %mul3A_161 = arith.constant 4 : i32
    %mul3A_162 = arith.muli %mul3A_161, %add3A : i32
    %add3A_163 = arith.constant 3 : i32
    %add3A_164 = arith.addi %mul3A_162, %add3A_163 : i32
    %scan3A_165 = arith.constant 0 : i32
    %scan3A_166 = arith.constant 0 : i32
    %scan3A_167 = arith.constant 31 : i32
    %scan3A_168 = arith.addi %scan3A_166, %scan3A_167 : i32
    %scan3A_169 = arith.constant 1 : i32
    scf.for %scan3A_183 = %scan3A_166 to %scan3A_168 step %scan3A_169  : i32 {
      %dma_wait3A = arith.constant 0 : i32
      %dma_wait3A_184 = arith.constant 1 : i32
      %dma_wait3A_185 = arith.constant 0 : i32
      %dma_wait3A_186 = arith.constant 0 : i32
      %dma_wait3A_187 = arith.constant 0 : i32
      %dma_wait3A_188 = tpu.memref_slice %arg4[%dma_wait3A_184, %dma_wait3A_185, %dma_wait3A_186, %dma_wait3A_187] : memref<2x31x16x128xf32, #tpu.memory_space<vmem>> -> memref<1x1x16x128xf32, #tpu.memory_space<vmem>>
      %dma_wait3A_189 = tpu.memref_squeeze %dma_wait3A_188 : memref<1x1x16x128xf32, #tpu.memory_space<vmem>> -> memref<16x128xf32, #tpu.memory_space<vmem>>
      %dma_wait3A_190 = arith.constant 0 : i32
      %dma_wait3A_191 = arith.constant 0 : i32
      %dma_wait3A_192 = tpu.memref_slice %arg2[%dma_wait3A, %dma_wait3A_190, %dma_wait3A_191] : memref<8x16x4088xf32, #tpu.memory_space<hbm>> -> memref<1x16x128xf32, #tpu.memory_space<hbm>>
      %dma_wait3A_193 = tpu.memref_squeeze %dma_wait3A_192 : memref<1x16x128xf32, #tpu.memory_space<hbm>> -> memref<16x128xf32, #tpu.memory_space<hbm>>
      %dma_wait3A_194 = arith.constant 0 : i32
      %dma_wait3A_195 = arith.constant 0 : i32
      %dma_wait3A_196 = tpu.memref_slice %arg4[%dma_wait3A_184, %dma_wait3A_185, %dma_wait3A_194, %dma_wait3A_195] : memref<2x31x16x128xf32, #tpu.memory_space<vmem>> -> memref<1x1x16x128xf32, #tpu.memory_space<vmem>>
      %dma_wait3A_197 = tpu.memref_squeeze %dma_wait3A_196 : memref<1x1x16x128xf32, #tpu.memory_space<vmem>> -> memref<16x128xf32, #tpu.memory_space<vmem>>
      %dma_wait3A_198 = arith.constant 0 : i32
      %dma_wait3A_199 = arith.constant 0 : i32
      %dma_wait3A_200 = tpu.memref_slice %arg2[%dma_wait3A, %dma_wait3A_198, %dma_wait3A_199] : memref<8x16x4088xf32, #tpu.memory_space<hbm>> -> memref<1x16x128xf32, #tpu.memory_space<hbm>>
      %dma_wait3A_201 = tpu.memref_squeeze %dma_wait3A_200 : memref<1x16x128xf32, #tpu.memory_space<hbm>> -> memref<16x128xf32, #tpu.memory_space<hbm>>
      tpu.wait_dma2 semaphore(%arg6 : memref<!tpu.dma_semaphore, #tpu.memory_space<semaphore_mem>>) src(%dma_wait3A_201 : memref<16x128xf32, #tpu.memory_space<hbm>>) dst(%dma_wait3A_197 : memref<16x128xf32, #tpu.memory_space<vmem>>)
    }
    %scan3A_170 = arith.constant 31 : i32
    %scan3A_171 = arith.constant 0 : i32
    %scan3A_172 = arith.constant 0 : i32
    %scan3A_173 = arith.constant 16 : i32
    %scan3A_174 = arith.addi %scan3A_172, %scan3A_173 : i32
    %scan3A_175 = arith.constant 1 : i32
    scf.for %scan3A_183 = %scan3A_172 to %scan3A_174 step %scan3A_175  : i32 {
      %sub3A_184 = arith.constant 2047 : i32
      %sub3A_185 = arith.subi %sub3A_184, %add3A_164 : i32
      %mul3A_186 = arith.constant 128 : i32
      %mul3A_187 = arith.muli %mul3A_186, %scan3A_183 : i32
      %sub3A_188 = arith.subi %sub3A_185, %mul3A_187 : i32
      %dma_start3A = arith.constant 1 : i32
      %dma_start3A_189 = arith.constant 0 : i32
      %dma_start3A_190 = arith.constant 0 : i32
      %dma_start3A_191 = arith.constant 0 : i32
      %dma_start3A_192 = tpu.memref_slice %arg4[%dma_start3A, %scan3A_183, %dma_start3A_190, %dma_start3A_191] : memref<2x31x16x128xf32, #tpu.memory_space<vmem>> -> memref<1x16x8x128xf32, #tpu.memory_space<vmem>>
      %dma_start3A_193 = tpu.memref_squeeze %dma_start3A_192 : memref<1x16x8x128xf32, #tpu.memory_space<vmem>> -> memref<16x8x128xf32, #tpu.memory_space<vmem>>
      %dma_start3A_194 = arith.constant 0 : i32
      %dma_start3A_195 = arith.constant 0 : i32
      %dma_start3A_196 = arith.constant 0 : i32
      %dma_start3A_197 = tpu.memref_slice %arg3[%sub3A_188, %dma_start3A_189, %dma_start3A_194, %dma_start3A_195, %dma_start3A_196] : memref<2048x2x16x8x128xf32, #tpu.memory_space<hbm>> -> memref<1x1x16x8x128xf32, #tpu.memory_space<hbm>>
      %dma_start3A_198 = tpu.memref_squeeze %dma_start3A_197 : memref<1x1x16x8x128xf32, #tpu.memory_space<hbm>> -> memref<16x8x128xf32, #tpu.memory_space<hbm>>
      %dma_start3A_199 = arith.constant 0 : i32
      %dma_start3A_200 = arith.constant 0 : i32
      %dma_start3A_201 = arith.constant 0 : i32
      %dma_start3A_202 = tpu.memref_slice %arg3[%sub3A_188, %dma_start3A_189, %dma_start3A_199, %dma_start3A_200, %dma_start3A_201] : memref<2048x2x16x8x128xf32, #tpu.memory_space<hbm>> -> memref<1x1x16x8x128xf32, #tpu.memory_space<hbm>>
      %dma_start3A_203 = tpu.memref_squeeze %dma_start3A_202 : memref<1x1x16x8x128xf32, #tpu.memory_space<hbm>> -> memref<16x8x128xf32, #tpu.memory_space<hbm>>
      %dma_start3A_204 = arith.constant 0 : i32
      %dma_start3A_205 = arith.constant 0 : i32
      %dma_start3A_206 = tpu.memref_slice %arg4[%dma_start3A, %scan3A_183, %dma_start3A_204, %dma_start3A_205] : memref<2x31x16x128xf32, #tpu.memory_space<vmem>> -> memref<1x16x8x128xf32, #tpu.memory_space<vmem>>
      %dma_start3A_207 = tpu.memref_squeeze %dma_start3A_206 : memref<1x16x8x128xf32, #tpu.memory_space<vmem>> -> memref<16x8x128xf32, #tpu.memory_space<vmem>>
      tpu.enqueue_dma source(%dma_start3A_207 : memref<16x8x128xf32, #tpu.memory_space<vmem>>) target(%dma_start3A_203 : memref<16x8x128xf32, #tpu.memory_space<hbm>>) target_semaphore(%arg7 : memref<!tpu.dma_semaphore, #tpu.memory_space<semaphore_mem>>)
      %dma_start3A_208 = arith.constant 1 : i32
      %dma_start3A_209 = arith.constant 1 : i32
      %dma_start3A_210 = arith.constant 8 : i32
      %dma_start3A_211 = arith.constant 0 : i32
      %dma_start3A_212 = tpu.memref_slice %arg4[%dma_start3A_208, %scan3A_183, %dma_start3A_210, %dma_start3A_211] : memref<2x31x16x128xf32, #tpu.memory_space<vmem>> -> memref<1x16x8x128xf32, #tpu.memory_space<vmem>>
      %dma_start3A_213 = tpu.memref_squeeze %dma_start3A_212 : memref<1x16x8x128xf32, #tpu.memory_space<vmem>> -> memref<16x8x128xf32, #tpu.memory_space<vmem>>
      %dma_start3A_214 = arith.constant 0 : i32
      %dma_start3A_215 = arith.constant 0 : i32
      %dma_start3A_216 = arith.constant 0 : i32
      %dma_start3A_217 = tpu.memref_slice %arg3[%sub3A_188, %dma_start3A_209, %dma_start3A_214, %dma_start3A_215, %dma_start3A_216] : memref<2048x2x16x8x128xf32, #tpu.memory_space<hbm>> -> memref<1x1x16x8x128xf32, #tpu.memory_space<hbm>>
      %dma_start3A_218 = tpu.memref_squeeze %dma_start3A_217 : memref<1x1x16x8x128xf32, #tpu.memory_space<hbm>> -> memref<16x8x128xf32, #tpu.memory_space<hbm>>
      %dma_start3A_219 = arith.constant 0 : i32
      %dma_start3A_220 = arith.constant 0 : i32
      %dma_start3A_221 = arith.constant 0 : i32
      %dma_start3A_222 = tpu.memref_slice %arg3[%sub3A_188, %dma_start3A_209, %dma_start3A_219, %dma_start3A_220, %dma_start3A_221] : memref<2048x2x16x8x128xf32, #tpu.memory_space<hbm>> -> memref<1x1x16x8x128xf32, #tpu.memory_space<hbm>>
      %dma_start3A_223 = tpu.memref_squeeze %dma_start3A_222 : memref<1x1x16x8x128xf32, #tpu.memory_space<hbm>> -> memref<16x8x128xf32, #tpu.memory_space<hbm>>
      %dma_start3A_224 = arith.constant 8 : i32
      %dma_start3A_225 = arith.constant 0 : i32
      %dma_start3A_226 = tpu.memref_slice %arg4[%dma_start3A_208, %scan3A_183, %dma_start3A_224, %dma_start3A_225] : memref<2x31x16x128xf32, #tpu.memory_space<vmem>> -> memref<1x16x8x128xf32, #tpu.memory_space<vmem>>
      %dma_start3A_227 = tpu.memref_squeeze %dma_start3A_226 : memref<1x16x8x128xf32, #tpu.memory_space<vmem>> -> memref<16x8x128xf32, #tpu.memory_space<vmem>>
      tpu.enqueue_dma source(%dma_start3A_227 : memref<16x8x128xf32, #tpu.memory_space<vmem>>) target(%dma_start3A_223 : memref<16x8x128xf32, #tpu.memory_space<hbm>>) target_semaphore(%arg7 : memref<!tpu.dma_semaphore, #tpu.memory_space<semaphore_mem>>)
    }
    %scan3A_176 = arith.constant 16 : i32
    %scan3A_177 = arith.constant 0 : i32
    %scan3A_178 = arith.constant 0 : i32
    %scan3A_179 = arith.constant 32 : i32
    %scan3A_180 = arith.addi %scan3A_178, %scan3A_179 : i32
    %scan3A_181 = arith.constant 1 : i32
    scf.for %scan3A_183 = %scan3A_178 to %scan3A_180 step %scan3A_181  : i32 {
      %dma_wait3A = arith.constant 0 : i32
      %dma_wait3A_184 = arith.constant 0 : i32
      %dma_wait3A_185 = arith.constant 0 : i32
      %dma_wait3A_186 = arith.constant 0 : i32
      %dma_wait3A_187 = arith.constant 0 : i32
      %dma_wait3A_188 = arith.constant 0 : i32
      %dma_wait3A_189 = tpu.memref_slice %arg4[%dma_wait3A, %dma_wait3A_186, %dma_wait3A_187, %dma_wait3A_188] : memref<2x31x16x128xf32, #tpu.memory_space<vmem>> -> memref<1x16x8x128xf32, #tpu.memory_space<vmem>>
      %dma_wait3A_190 = tpu.memref_squeeze %dma_wait3A_189 : memref<1x16x8x128xf32, #tpu.memory_space<vmem>> -> memref<16x8x128xf32, #tpu.memory_space<vmem>>
      %dma_wait3A_191 = arith.constant 0 : i32
      %dma_wait3A_192 = arith.constant 0 : i32
      %dma_wait3A_193 = arith.constant 0 : i32
      %dma_wait3A_194 = tpu.memref_slice %arg3[%dma_wait3A_184, %dma_wait3A_185, %dma_wait3A_191, %dma_wait3A_192, %dma_wait3A_193] : memref<2048x2x16x8x128xf32, #tpu.memory_space<hbm>> -> memref<1x1x16x8x128xf32, #tpu.memory_space<hbm>>
      %dma_wait3A_195 = tpu.memref_squeeze %dma_wait3A_194 : memref<1x1x16x8x128xf32, #tpu.memory_space<hbm>> -> memref<16x8x128xf32, #tpu.memory_space<hbm>>
      %dma_wait3A_196 = arith.constant 0 : i32
      %dma_wait3A_197 = arith.constant 0 : i32
      %dma_wait3A_198 = arith.constant 0 : i32
      %dma_wait3A_199 = tpu.memref_slice %arg3[%dma_wait3A_184, %dma_wait3A_185, %dma_wait3A_196, %dma_wait3A_197, %dma_wait3A_198] : memref<2048x2x16x8x128xf32, #tpu.memory_space<hbm>> -> memref<1x1x16x8x128xf32, #tpu.memory_space<hbm>>
      %dma_wait3A_200 = tpu.memref_squeeze %dma_wait3A_199 : memref<1x1x16x8x128xf32, #tpu.memory_space<hbm>> -> memref<16x8x128xf32, #tpu.memory_space<hbm>>
      %dma_wait3A_201 = arith.constant 0 : i32
      %dma_wait3A_202 = arith.constant 0 : i32
      %dma_wait3A_203 = arith.constant 0 : i32
      %dma_wait3A_204 = tpu.memref_slice %arg4[%dma_wait3A, %dma_wait3A_201, %dma_wait3A_202, %dma_wait3A_203] : memref<2x31x16x128xf32, #tpu.memory_space<vmem>> -> memref<1x16x8x128xf32, #tpu.memory_space<vmem>>
      %dma_wait3A_205 = tpu.memref_squeeze %dma_wait3A_204 : memref<1x16x8x128xf32, #tpu.memory_space<vmem>> -> memref<16x8x128xf32, #tpu.memory_space<vmem>>
      tpu.wait_dma2 semaphore(%arg7 : memref<!tpu.dma_semaphore, #tpu.memory_space<semaphore_mem>>) src(%dma_wait3A_205 : memref<16x8x128xf32, #tpu.memory_space<vmem>>) dst(%dma_wait3A_200 : memref<16x8x128xf32, #tpu.memory_space<hbm>>)
    }
    %scan3A_182 = arith.constant 32 : i32
    return
  }
}

</mosaic_0001>

<sc_bundles>
// kernel: kernel.3.cloned.1.call-start
scs
__scs_entry_jumppad:
0x0: {  	(pc) =	sbr.rel $0x88, $3  }
0x1: {  	(tag) =	ssettag $0x0;
	lr =	simm.s32 $0x1  }
0x2: {  	[smem:$0x3FA0] =	sst lr;
	_ =	strace $0xD0000000  }
0x3: {  	_ = 	snop  }
0x4: {  	_ = 	snop  }
0x5: {  	_ = 	snop  }
0x6: {  	_ = 	snop  }
0x7: {  	_ = 	snop  }
__scs_overlays_trampoline_lowered:
0x8: {  	[smem:$0x3FAF] =	sst s0  }
0x9: {  	[smem:$0x3FB0] =	sst s1  }
0xa: {  	[smem:$0x3FB1] =	sst s2  }
0xb: {  	[smem:$0x3FB2] =	sst s3  }
0xc: {  	[smem:$0x3FB3] =	sst s4  }
0xd: {  	[smem:$0x3FB4] =	sst s5  }
0xe: {  	[smem:$0x3FB5] =	sst s6  }
0xf: {  	[smem:$0x3FB6] =	sst s7  }
0x10: {  	[smem:$0x3FB7] =	sst s8  }
0x11: {  	[smem:$0x3FB8] =	sst s9;
	s0 =	simm.s32 @!p0 $0x0  }
0x12: {  	s1 =	sld [smem:$0x3F9E];
	s0 =	simm.s32 @p0 $0x1  }
0x13: {  	[smem:$0x3FB9] =	sst s0;
	s0 =	simm.s32 @!p1 $0x0  }
0x14: {  	s2 =	sld [smem:$0x3F9D];
	s0 =	simm.s32 @p1 $0x1  }
0x15: {  	[smem:$0x3FBA] =	sst s0;
	s0 =	simm.s32 @!p2 $0x0  }
0x16: {  	s3 =	sld [smem:$0x3FDB];
	s0 =	simm.s32 @p2 $0x1  }
0x17: {  	s4 =	simm.s32 $0x1BF5;
	[smem:$0x3FBC] =	sst s0  }
0x18: {  	s0 =	sld [smem:$0x3F9F];
	_ =	swait.ge [sflag:s4], $0x0  }
0x19: {  	s7 =	sld [smem:$0x3FA0]  }
0x1a: {  	s8 =	sadd.s32 $0xFFFFE003, lr  }
0x1b: {  	s9 =	sadd.s32 $0xFFFFFEF7, lr;
	s5 =	simm.s32 $0xFFFFFFFF;
	p2 =	slt.u32 s8, $0xFFFFF086  }
0x1c: {  	p1 =	slt.u32 s9, $0xF7A;
	s5 =	simm.s32 @!p2 $0x0  }
0x1d: {  	s5 =	simm.s32 @p1 $0x1;
	p0 =	seq.s32 s7, s2  }
0x1e: {  	s7 =	smul.u32 @!p0 $0xF7A, s2;
	p2 =	seq.s32 @!p0 s5, $0x0  }
0x1f: {  	s9 =	smul.u32 $0xF7A, s1;
	s8 =	simm.s32 @!p0 $0x1BF5;
	p2 =	por !p2, p0  }
0x20: {  	[sflag:s8] =	ssyncset.s32 @!p0 $0xFFFFF086;
	s6 =	sadd.s32 @!p0 s3, s7;
	s7 =	simm.s32 @!p0 $0x108  }
0x21: {  	s3 =	sadd.s32 s3, s9;
	s6 =	sadd.s32 @!p0 $0x88, s6;
	s7 =	simm.s32 @p2 $0x1082  }
0x22: {  	[simem:s7], [sflag:s8] =	dma.local @!p0 [hbm:s6], $0xF7A  }
0x23: {  	s9 =	sor.u32 $0xD0000000, s2;
	s6 =	simm.s32 $0x108;
	_ =	swait.ge @!p0 [sflag:s8], $0x0  }
0x24: {  	s3 =	sadd.s32 $0x88, s3;
	s6 =	simm.s32 @!p1 $0x1082;
	[sflag:s4] =	ssyncset.s32 $0xFFFFF086  }
0x25: {  	[simem:s6], [sflag:s4] =	dma.local [hbm:s3], $0xF7A  }
0x26: {  	[smem:$0x3FA0] =	sst s1;
	(tag) =	ssettag s2;
	_ =	strace s9  }
0x27: {  	s1 =	sld [smem:$0x3FB0]  }
0x28: {  	s2 =	sld [smem:$0x3FB1]  }
0x29: {  	s4 =	sld [smem:$0x3FB3]  }
0x2a: {  	p0 =	seq.s32 s5, $0x0;
	s5 =	sld [smem:$0x3FB4]  }
0x2b: {  	s6 =	sld [smem:$0x3FB5]  }
0x2c: {  	s7 =	sld [smem:$0x3FB6]  }
0x2d: {  	s3 =	simm.s32 $0x108;
	s8 =	sld [smem:$0x3FB7]  }
0x2e: {  	s3 =	simm.s32 @!p0 $0x1082;
	s9 =	sld [smem:$0x3FB8]  }
0x2f: {  	lr =	sadd.s32 s0, s3;
	s0 =	sld [smem:$0x3FAF]  }
0x30: {  	s3 =	sld [smem:$0x3FB2]  }
0x31: {  	[smem:$0x3FBB] =	sst s10  }
0x32: {  	s10 =	sld [smem:$0x3FB9];
	_ =	sdelay $0x3  }
0x33: {  	p0 =	seq.s32 s10, $0x1;
	s10 =	sld [smem:$0x3FBB];
	_ =	sdelay $0x3  }
0x34: {  	[smem:$0x3FBB] =	sst s10  }
0x35: {  	s10 =	sld [smem:$0x3FBA];
	_ =	sdelay $0x3  }
0x36: {  	p1 =	seq.s32 s10, $0x1;
	s10 =	sld [smem:$0x3FBB];
	_ =	sdelay $0x3  }
0x37: {  	[smem:$0x3FBB] =	sst s10  }
0x38: {  	s10 =	sld [smem:$0x3FBC]  }
0x39: {  	_ = 	snop;
	(pc) =	sbr.ind lr, $3  }
0x3a: {  	_ = 	snop  }
0x3b: {  	_ = 	snop  }
0x3c: {  	p2 =	seq.s32 s10, $0x1;
	s10 =	sld [smem:$0x3FBB]  }
0x3d: {  	_ =	shalt  }
0x3e: {  	_ =	shalt  }
0x3f: {  	_ =	shalt  }
0x40: {  	_ =	shalt  }
0x41: {  	_ =	shalt  }
0x42: {  	_ =	shalt  }
0x43: {  	_ =	shalt  }
0x44: {  	_ =	shalt  }
0x45: {  	_ =	shalt  }
0x46: {  	_ =	shalt  }
0x47: {  	_ =	shalt  }
0x48: {  	_ =	shalt  }
0x49: {  	_ =	shalt  }
0x4a: {  	_ =	shalt  }
0x4b: {  	_ =	shalt  }
0x4c: {  	_ =	shalt  }
0x4d: {  	_ =	shalt  }
0x4e: {  	_ =	shalt  }
0x4f: {  	_ =	shalt  }
0x50: {  	_ =	shalt  }
0x51: {  	_ =	shalt  }
0x52: {  	_ =	shalt  }
0x53: {  	_ =	shalt  }
0x54: {  	_ =	shalt  }
0x55: {  	_ =	shalt  }
0x56: {  	_ =	shalt  }
0x57: {  	_ =	shalt  }
0x58: {  	_ =	shalt  }
0x59: {  	_ =	shalt  }
0x5a: {  	_ =	shalt  }
0x5b: {  	_ =	shalt  }
0x5c: {  	_ =	shalt  }
0x5d: {  	_ =	shalt  }
0x5e: {  	_ =	shalt  }
0x5f: {  	_ =	shalt  }
0x60: {  	_ =	shalt  }
0x61: {  	_ =	shalt  }
0x62: {  	_ =	shalt  }
0x63: {  	_ =	shalt  }
0x64: {  	_ =	shalt  }
0x65: {  	_ =	shalt  }
0x66: {  	_ =	shalt  }
0x67: {  	_ =	shalt  }
0x68: {  	_ =	shalt  }
0x69: {  	_ =	shalt  }
0x6a: {  	_ =	shalt  }
0x6b: {  	_ =	shalt  }
0x6c: {  	_ =	shalt  }
0x6d: {  	_ =	shalt  }
0x6e: {  	_ =	shalt  }
0x6f: {  	_ =	shalt  }
0x70: {  	_ =	shalt  }
0x71: {  	_ =	shalt  }
0x72: {  	_ =	shalt  }
0x73: {  	_ =	shalt  }
0x74: {  	_ =	shalt  }
0x75: {  	_ =	shalt  }
0x76: {  	_ =	shalt  }
0x77: {  	_ =	shalt  }
0x78: {  	_ =	shalt  }
0x79: {  	_ =	shalt  }
0x7a: {  	_ =	shalt  }
0x7b: {  	_ =	shalt  }
0x7c: {  	_ =	shalt  }
0x7d: {  	_ =	shalt  }
0x7e: {  	_ =	shalt  }
0x7f: {  	_ =	shalt  }
0x80: {  	_ =	shalt  }
0x81: {  	_ =	shalt  }
0x82: {  	_ =	shalt  }
0x83: {  	_ =	shalt  }
0x84: {  	_ =	shalt  }
0x85: {  	_ =	shalt  }
0x86: {  	_ =	shalt  }
0x87: {  	_ =	shalt  }
.Lfunc_end0:
.L_simem_size_0:
called_computation_lowered:
.L_overlay_start_0:
0x88: {  	s2 =	sld [smem:$0x3FD9]  }
0x89: {  	s3 =	sld [smem:$0x3FFE];
	_ =	sdelay $0x1  }
0x8a: {  	s1 =	srdreg.scid  }
0x8b: {  	s0 =	sand.u32 $0x1, s1  }
0x8c: {  	s17 =	sshll.u32 s0, $0xA;
	s2 =	sadd.s32 s3, s2  }
0x8d: {  	s2 =	sadd.s32 s2, s17  }
0x8e: {  	[smem:$0x3FC7] =	sst s2  }
0x8f: {  	_ = 	snop  }
0x90: {  	s2 =	sld [smem:$0x3FD0];
	(tm) =	ssettm $0x1  }
0x91: {  	s18 =	sld [smem:$0x3FFB];
	_ =	sdelay $0x3  }
0x92: {  	_ =	strace s18  }
0x93: {  	s3 =	sld [smem:$0x3FFC];
	_ =	sdelay $0x3  }
0x94: {  	_ =	strace s3  }
0x95: {  	s3 =	sld [smem:$0x3FFD];
	_ =	sdelay $0x3  }
0x96: {  	_ =	strace s3  }
0x97: {  	_ =	strace $0x8FFFFFFF  }
0x98: {  	s19 =	sld [smem:$0x3FDB];
	_ =	sdelay $0x1  }
0x99: {  	s4 =	simm.s32 $_scs_section_size  }
0x9a: {  	s5 =	simm.s32 $_size__tile_overlayer_lowered;
	s6 =	simm.s32 $_tile_overlayer_lowered  }
0x9b: {  	s22 =	simm.s32 $0x1BFF;
	s21 =	sshll.u32 s6, $0x1;
	s3 =	sadd.s32 s4, s19  }
0x9c: {  	s7 =	simm.s32 $0x0;
	s20 =	sshll.u32 s5, $0x1;
	s5 =	sadd.s32 s21, s3  }
0x9d: {  	[timem:s7], [sflag:s22] =	dma.local [hbm:s5], s20  }
0x9e: {  	_ =	swait.ge [sflag:s22], s20  }
0x9f: {  	s4 =	ssub.s32 $0x0, s20;
	[sflag:s22] =	ssyncset.done $0x0  }
0xa0: {  	[sflag:s22] =	ssyncadd.s32 s4;
	_ =	sdelay $0x1  }
0xa1: {  	s23 =	simm.s32 $0x1B8B  }
0xa2: {  	_ =	swait.ge [sflag:s23], $0x1  }
0xa3: {  	[sflag:s23] =	ssyncset.done $0x0  }
0xa4: {  	s25 =	simm.s32 $0x1B8E;
	s24 =	sld [smem:$0x3FFE];
	[sflag:s23] =	ssyncadd.s32 $0xFFFFFFFF  }
0xa5: {  	s26 =	simm.s32 $execute0_lowered;
	[smem:$0x3FD2] =	sst s25  }
0xa6: {  	s5 =	sshll.u32 s26, $0x1;
	_ =	strace $0x80000046;
	[dreg:$0x1] =	wrdreg $0xFFFFFFFF  }
0xa7: {  	s28 =	simm.s32 $_size_execute0_lowered;
	s3 =	sadd.s32 s3, s5;
	[dreg:$0x0] =	wrdreg $0x0  }
0xa8: {  	s5 =	sshll.u32 s28, $0x1;
	[dreg:$0x2] =	wrdreg s3  }
0xa9: {  	[dreg:$0x3] =	wrdreg s5  }
0xaa: {  	[dreg:$0x4] =	wrdreg $0xC0  }
0xab: {  	_ =	task [dreg:s7], $0x5FFFF  }
0xac: {  	[dreg:$0x1] =	wrdreg $0xFFFFFFFF  }
0xad: {  	[dreg:$0x0] =	wrdreg $0x60  }
0xae: {  	[dreg:$0x2] =	wrdreg s24  }
0xaf: {  	[dreg:$0x3] =	wrdreg s2  }
0xb0: {  	[dreg:$0x4] =	wrdreg $0x9  }
0xb1: {  	_ =	task.clear_ibuf [dreg:s7], $0x5FFFF;
	_ =	strace $0x90000046  }
0xb2: {  	s29 =	simm.s32 $0x9;
	_ =	strace $0x80000048  }
0xb3: {  	_ =	swait.ge [sflag:s29], $0x1  }
0xb4: {  	[sflag:s29] =	ssyncadd.s32 $0xFFFFFFFF  }
0xb5: {  	_ =	strace $0x90000048  }
0xb6: {  	_ =	sfence  }
0xb7: {  	s30 =	sld [smem:$0x0];
	_ =	sdelay $0x2  }
0xb8: {  	s31 =	sshll.u32 s1, $0xD;
	s1 =	sshrl.u32 s1, $0x2  }
0xb9: {  	s3 =	sand.u32 $0x4000, s31;
	s1 =	sadd.s32 s1, s30  }
0xba: {  	s0 =	sor.u32 s3, s0;
	s1 =	sshll.u32 s1, $0x11  }
0xbb: {  	s0 =	sor.u32 s1, s0  }
0xbc: {  	s0 =	sadd.s32 $0x8F2B, s0  }
0xbd: {  	[sflag:s0] =	ssyncadd.remote.s32 $0x1  }
0xbe: {  	_ =	sfence.sel $0xFFFF  }
0xbf: {  	[dreg:$0x0] =	wrdreg $0xFFFFFFFF;
	(pc) =	sbr.abs _section_cstart, $3  }
0xc0: {  	[dreg:$0x1] =	wrdreg $0xFFFFFFFF  }
0xc1: {  	_ =	task.clear_ibuf [dreg:s7], $0x2FFFF;
	_ =	strace $0x9FFFFFFF  }
0xc2: {  	(tm) =	ssettm $0x7FFFFFFF  }
0xc3: {  	_ =	shalt  }
tec
execute0_lowered:
.L_overlay_start_1:
0x0: {  	(tag) =	ssettag $0x1  }
0x1: {  	s4 =	rddreg [dreg:$0x0]  }
0x2: {  	s1 =	rddreg [dreg:$0x1]  }
0x3: {  	s2 =	srdreg.scid;
	s0 =	rddreg [dreg:$0x2];
	s3 =	simm.s32 $0x0  }
0x4: {  	s13 =	simm.s32 $0x80;
	s14 =	simm.s32 $0xFF8;
	s15 =	simm.s32 $0x1  }
0x5: {  	s16 =	simm.s32 $0x3;
	s17 =	simm.s32 $0x2;
	s18 =	simm.s32 $0x0  }
0x6: {  	s6 =	sand.u32 $0x1, s2;
	s2 =	stileid.u32;
	[smem:$0x7FF] =	sst s3  }
0x7: {  	s10 =	sadd.s32 $0x400, s4;
	s5 =	smul.u32 $0x3FE00, s6;
	s7 =	ssub.s32 $0x2, s6  }
0x8: {  	s8 =	sshll.u32 s2, $0x3;
	_ =	strace $0x80000047;
	s29 =	sshll.u32 s6, $0x11  }
0x9: {  	s11 =	sshll.u32 s2, $0x12;
	s9 =	sshrl.u32 s7, $0x1;
	s8 =	sor.u32 s8, s5  }
0xa: {  	s12 =	sor.u32 s11, s29;
	s26 =	ssub.s32 s7, s9;
	s5 =	sshrl.u32 s8, $0x3  }
0xb: {  	s4 =	smax.u32 s26, $0x1;
	s28 =	sadd.s32 $0xFF80, s8;
	s30 =	sadd.s32 $0x1FF00, s8  }
0xc: {  	s31 =	sadd.s32 $0x2FE80, s8;
	s5 =	sadd.s32 s5, s10;
	s7 =	sshrl.u32 s28, $0x3  }
0xd: {  	s9 =	sshrl.u32 s30, $0x3;
	s11 =	sshrl.u32 s31, $0x3;
	s6 =	sadd.s32 s7, s10  }
0xe: {  	s7 =	sxor.u32 $0x3FF8000, s12;
	s8 =	sadd.s32 s9, s10;
	s9 =	sxor.u32 $0x3FF0000, s12  }
0xf: {  	s10 =	sadd.s32 s11, s10;
	s11 =	sxor.u32 $0x3FE8000, s12;
	s12 =	sxor.u32 $0x3FE0000, s12  }
.LBB2_1:
0x10: {  	s19 =	simm.s32 $0x10  }
0x11: {  	s22 =	sadd.s32 $0x0, s5;
	s20 =	simm.s32 $0x800;
	s21 =	simm.s32 $0x0  }
.LBB2_2:
0x12: {  	[tilespmem:s21], [sflag:$0x1] =	stream.strided.gather [hbm4b:s22+s13], $0x800, s14, s13, $0x38;
	[tilespmem:$0x1F000] =	vst v63  }
0x13: {  	s22 =	smov.u32 s19;
	s21 =	smov.u32 s20;
	p0 =	sne.s32 s19, $0x1E0  }
.Ltmp0:
0x14: {  	s19 =	sadd.s32 $0x10, s19;
	(pc) =	sbr.rel @p0 .LBB2_2-.Ltmp0, $2  }
0x15: {  	_ =	sdelay $0x2  }
0x16: {  	s20 =	sadd.s32 $0x800, s20;
	s22 =	sadd.s32 s22, s5  }
0x17: {  	[tilespmem:s21], [sflag:$0x1] =	stream.strided.gather [hbm4b:s22+s13], $0x800, s14, s13, $0x38;
	[tilespmem:$0x1F000] =	vst v63  }
0x18: {  	_ =	swait.ge [sflag:s15], $0x800  }
0x19: {  	[sflag:s15] =	ssyncset.done $0x0  }
0x1a: {  	[sflag:s15] =	ssyncadd.s32 $0xFFFFF800  }
0x1b: {  	_ =	swait.ge [sflag:s15], $0x800  }
0x1c: {  	[sflag:s15] =	ssyncset.done $0x0  }
0x1d: {  	[sflag:s15] =	ssyncadd.s32 $0xFFFFF800  }
0x1e: {  	_ =	swait.ge [sflag:s15], $0x800  }
0x1f: {  	[sflag:s15] =	ssyncset.done $0x0  }
0x20: {  	[sflag:s15] =	ssyncadd.s32 $0xFFFFF800  }
0x21: {  	_ =	swait.ge [sflag:s15], $0x800  }
0x22: {  	[sflag:s15] =	ssyncset.done $0x0  }
0x23: {  	[sflag:s15] =	ssyncadd.s32 $0xFFFFF800  }
0x24: {  	_ =	swait.ge [sflag:s15], $0x800  }
0x25: {  	[sflag:s15] =	ssyncset.done $0x0  }
0x26: {  	[sflag:s15] =	ssyncadd.s32 $0xFFFFF800  }
0x27: {  	_ =	swait.ge [sflag:s15], $0x800  }
0x28: {  	[sflag:s15] =	ssyncset.done $0x0  }
0x29: {  	[sflag:s15] =	ssyncadd.s32 $0xFFFFF800  }
0x2a: {  	_ =	swait.ge [sflag:s15], $0x800  }
0x2b: {  	[sflag:s15] =	ssyncset.done $0x0  }
0x2c: {  	[sflag:s15] =	ssyncadd.s32 $0xFFFFF800  }
0x2d: {  	_ =	swait.ge [sflag:s15], $0x800  }
0x2e: {  	[sflag:s15] =	ssyncset.done $0x0  }
0x2f: {  	[sflag:s15] =	ssyncadd.s32 $0xFFFFF800  }
0x30: {  	_ =	swait.ge [sflag:s15], $0x800  }
0x31: {  	[sflag:s15] =	ssyncset.done $0x0  }
0x32: {  	[sflag:s15] =	ssyncadd.s32 $0xFFFFF800  }
0x33: {  	_ =	swait.ge [sflag:s15], $0x800  }
0x34: {  	[sflag:s15] =	ssyncset.done $0x0  }
0x35: {  	[sflag:s15] =	ssyncadd.s32 $0xFFFFF800  }
0x36: {  	_ =	swait.ge [sflag:s15], $0x800  }
0x37: {  	[sflag:s15] =	ssyncset.done $0x0  }
0x38: {  	[sflag:s15] =	ssyncadd.s32 $0xFFFFF800  }
0x39: {  	_ =	swait.ge [sflag:s15], $0x800  }
0x3a: {  	[sflag:s15] =	ssyncset.done $0x0  }
0x3b: {  	[sflag:s15] =	ssyncadd.s32 $0xFFFFF800  }
0x3c: {  	_ =	swait.ge [sflag:s15], $0x800  }
0x3d: {  	[sflag:s15] =	ssyncset.done $0x0  }
0x3e: {  	[sflag:s15] =	ssyncadd.s32 $0xFFFFF800  }
0x3f: {  	_ =	swait.ge [sflag:s15], $0x800  }
0x40: {  	[sflag:s15] =	ssyncset.done $0x0  }
0x41: {  	[sflag:s15] =	ssyncadd.s32 $0xFFFFF800  }
0x42: {  	_ =	swait.ge [sflag:s15], $0x800  }
0x43: {  	[sflag:s15] =	ssyncset.done $0x0  }
0x44: {  	[sflag:s15] =	ssyncadd.s32 $0xFFFFF800  }
0x45: {  	_ =	swait.ge [sflag:s15], $0x800  }
0x46: {  	[sflag:s15] =	ssyncset.done $0x0  }
0x47: {  	[sflag:s15] =	ssyncadd.s32 $0xFFFFF800  }
0x48: {  	_ =	swait.ge [sflag:s15], $0x800  }
0x49: {  	[sflag:s15] =	ssyncset.done $0x0  }
0x4a: {  	[sflag:s15] =	ssyncadd.s32 $0xFFFFF800  }
0x4b: {  	_ =	swait.ge [sflag:s15], $0x800  }
0x4c: {  	[sflag:s15] =	ssyncset.done $0x0  }
0x4d: {  	[sflag:s15] =	ssyncadd.s32 $0xFFFFF800  }
0x4e: {  	_ =	swait.ge [sflag:s15], $0x800  }
0x4f: {  	[sflag:s15] =	ssyncset.done $0x0  }
0x50: {  	[sflag:s15] =	ssyncadd.s32 $0xFFFFF800  }
0x51: {  	_ =	swait.ge [sflag:s15], $0x800  }
0x52: {  	[sflag:s15] =	ssyncset.done $0x0  }
0x53: {  	[sflag:s15] =	ssyncadd.s32 $0xFFFFF800  }
0x54: {  	_ =	swait.ge [sflag:s15], $0x800  }
0x55: {  	[sflag:s15] =	ssyncset.done $0x0  }
0x56: {  	[sflag:s15] =	ssyncadd.s32 $0xFFFFF800  }
0x57: {  	_ =	swait.ge [sflag:s15], $0x800  }
0x58: {  	[sflag:s15] =	ssyncset.done $0x0  }
0x59: {  	[sflag:s15] =	ssyncadd.s32 $0xFFFFF800  }
0x5a: {  	_ =	swait.ge [sflag:s15], $0x800  }
0x5b: {  	[sflag:s15] =	ssyncset.done $0x0  }
0x5c: {  	[sflag:s15] =	ssyncadd.s32 $0xFFFFF800  }
0x5d: {  	_ =	swait.ge [sflag:s15], $0x800  }
0x5e: {  	[sflag:s15] =	ssyncset.done $0x0  }
0x5f: {  	[sflag:s15] =	ssyncadd.s32 $0xFFFFF800  }
0x60: {  	_ =	swait.ge [sflag:s15], $0x800  }
0x61: {  	[sflag:s15] =	ssyncset.done $0x0  }
0x62: {  	[sflag:s15] =	ssyncadd.s32 $0xFFFFF800  }
0x63: {  	_ =	swait.ge [sflag:s15], $0x800  }
0x64: {  	[sflag:s15] =	ssyncset.done $0x0  }
0x65: {  	[sflag:s15] =	ssyncadd.s32 $0xFFFFF800  }
0x66: {  	_ =	swait.ge [sflag:s15], $0x800  }
0x67: {  	[sflag:s15] =	ssyncset.done $0x0  }
0x68: {  	[sflag:s15] =	ssyncadd.s32 $0xFFFFF800  }
0x69: {  	_ =	swait.ge [sflag:s15], $0x800  }
0x6a: {  	[sflag:s15] =	ssyncset.done $0x0  }
0x6b: {  	[sflag:s15] =	ssyncadd.s32 $0xFFFFF800  }
0x6c: {  	_ =	swait.ge [sflag:s15], $0x800  }
0x6d: {  	[sflag:s15] =	ssyncset.done $0x0  }
0x6e: {  	[sflag:s15] =	ssyncadd.s32 $0xFFFFF800  }
0x6f: {  	_ =	swait.ge [sflag:s15], $0x800  }
0x70: {  	[sflag:s15] =	ssyncset.done $0x0  }
0x71: {  	[sflag:s15] =	ssyncadd.s32 $0xFFFFF800  }
0x72: {  	_ =	swait.ge [sflag:s15], $0x800  }
0x73: {  	s19 =	simm.s32 $0xF800;
	s20 =	simm.s32 $0x10;
	[sflag:s15] =	ssyncset.done $0x0  }
0x74: {  	s22 =	sadd.s32 $0x0, s6;
	s21 =	simm.s32 $0x10000;
	[sflag:s15] =	ssyncadd.s32 $0xFFFFF800  }
.LBB2_4:
0x75: {  	[tilespmem:s19], [sflag:$0x2] =	stream.strided.gather [hbm4b:s22+s13], $0x800, s14, s13, $0x38;
	[tilespmem:$0x1F000] =	vst v63  }
0x76: {  	s22 =	smov.u32 s20;
	s19 =	smov.u32 s21;
	p0 =	sne.s32 s20, $0x1E0  }
.Ltmp1:
0x77: {  	s20 =	sadd.s32 $0x10, s20;
	(pc) =	sbr.rel @p0 .LBB2_4-.Ltmp1, $2  }
0x78: {  	_ =	sdelay $0x2  }
0x79: {  	s21 =	sadd.s32 $0x800, s21;
	s22 =	sadd.s32 s22, s6  }
0x7a: {  	[tilespmem:s19], [sflag:$0x2] =	stream.strided.gather [hbm4b:s22+s13], $0x800, s14, s13, $0x38;
	[tilespmem:$0x1F000] =	vst v63  }
0x7b: {  	s21 =	sshrl.u32 s7, $0x3  }
0x7c: {  	s20 =	simm.s32 $0x0;
	s19 =	sadd.s32 s1, s21  }
0x7d: {  	[hbm4b:s19+s3] =	stream.linear.scatter [tilespmem:s20], [sflag:$0x3], $0x400, $0x38;
	[tilespmem:$0x1F000] =	vst v63  }
0x7e: {  	s22 =	simm.s32 $0x800;
	s21 =	sadd.s32 $0x80, s19  }
0x7f: {  	[hbm4b:s21+s3] =	stream.linear.scatter [tilespmem:s22], [sflag:$0x3], $0x400, $0x38;
	[tilespmem:$0x1F000] =	vst v63  }
0x80: {  	s23 =	simm.s32 $0x1000;
	s24 =	sadd.s32 $0x100, s19  }
0x81: {  	[hbm4b:s24+s3] =	stream.linear.scatter [tilespmem:s23], [sflag:$0x3], $0x400, $0x38;
	[tilespmem:$0x1F000] =	vst v63  }
0x82: {  	s25 =	simm.s32 $0x1800;
	s26 =	sadd.s32 $0x180, s19  }
0x83: {  	[hbm4b:s26+s3] =	stream.linear.scatter [tilespmem:s25], [sflag:$0x3], $0x400, $0x38;
	[tilespmem:$0x1F000] =	vst v63  }
0x84: {  	s28 =	simm.s32 $0x2000;
	s29 =	sadd.s32 $0x200, s19  }
0x85: {  	[hbm4b:s29+s3] =	stream.linear.scatter [tilespmem:s28], [sflag:$0x3], $0x400, $0x38;
	[tilespmem:$0x1F000] =	vst v63  }
0x86: {  	s30 =	simm.s32 $0x2800;
	s31 =	sadd.s32 $0x280, s19  }
0x87: {  	[hbm4b:s31+s3] =	stream.linear.scatter [tilespmem:s30], [sflag:$0x3], $0x400, $0x38;
	[tilespmem:$0x1F000] =	vst v63  }
0x88: {  	s21 =	simm.s32 $0x3000;
	s22 =	sadd.s32 $0x300, s19  }
0x89: {  	[hbm4b:s22+s3] =	stream.linear.scatter [tilespmem:s21], [sflag:$0x3], $0x400, $0x38;
	[tilespmem:$0x1F000] =	vst v63  }
0x8a: {  	s23 =	simm.s32 $0x3800;
	s24 =	sadd.s32 $0x380, s19  }
0x8b: {  	[hbm4b:s24+s3] =	stream.linear.scatter [tilespmem:s23], [sflag:$0x3], $0x400, $0x38;
	[tilespmem:$0x1F000] =	vst v63  }
0x8c: {  	s25 =	simm.s32 $0x4000;
	s26 =	sadd.s32 $0x400, s19  }
0x8d: {  	[hbm4b:s26+s3] =	stream.linear.scatter [tilespmem:s25], [sflag:$0x3], $0x400, $0x38;
	[tilespmem:$0x1F000] =	vst v63  }
0x8e: {  	s28 =	simm.s32 $0x4800;
	s29 =	sadd.s32 $0x480, s19  }
0x8f: {  	[hbm4b:s29+s3] =	stream.linear.scatter [tilespmem:s28], [sflag:$0x3], $0x400, $0x38;
	[tilespmem:$0x1F000] =	vst v63  }
0x90: {  	s30 =	simm.s32 $0x5000;
	s31 =	sadd.s32 $0x500, s19  }
0x91: {  	[hbm4b:s31+s3] =	stream.linear.scatter [tilespmem:s30], [sflag:$0x3], $0x400, $0x38;
	[tilespmem:$0x1F000] =	vst v63  }
0x92: {  	s21 =	simm.s32 $0x5800;
	s22 =	sadd.s32 $0x580, s19  }
0x93: {  	[hbm4b:s22+s3] =	stream.linear.scatter [tilespmem:s21], [sflag:$0x3], $0x400, $0x38;
	[tilespmem:$0x1F000] =	vst v63  }
0x94: {  	s23 =	simm.s32 $0x6000;
	s24 =	sadd.s32 $0x600, s19  }
0x95: {  	[hbm4b:s24+s3] =	stream.linear.scatter [tilespmem:s23], [sflag:$0x3], $0x400, $0x38;
	[tilespmem:$0x1F000] =	vst v63  }
0x96: {  	s25 =	simm.s32 $0x6800;
	s26 =	sadd.s32 $0x680, s19  }
0x97: {  	[hbm4b:s26+s3] =	stream.linear.scatter [tilespmem:s25], [sflag:$0x3], $0x400, $0x38;
	[tilespmem:$0x1F000] =	vst v63  }
0x98: {  	s28 =	simm.s32 $0x7000;
	s29 =	sadd.s32 $0x700, s19;
	s31 =	sadd.s32 $0x4000, s7  }
0x99: {  	[hbm4b:s29+s3] =	stream.linear.scatter [tilespmem:s28], [sflag:$0x3], $0x400, $0x38;
	[tilespmem:$0x1F000] =	vst v63  }
0x9a: {  	s19 =	sadd.s32 $0x780, s19;
	s30 =	simm.s32 $0x7800;
	s21 =	sshrl.u32 s31, $0x3  }
0x9b: {  	[hbm4b:s19+s3] =	stream.linear.scatter [tilespmem:s30], [sflag:$0x3], $0x400, $0x38;
	[tilespmem:$0x1F000] =	vst v63  }
0x9c: {  	s22 =	simm.s32 $0x400;
	s20 =	sadd.s32 s1, s21  }
0x9d: {  	[hbm4b:s20+s3] =	stream.linear.scatter [tilespmem:s22], [sflag:$0x3], $0x400, $0x38;
	[tilespmem:$0x1F000] =	vst v63  }
0x9e: {  	s23 =	simm.s32 $0xC00;
	s24 =	sadd.s32 $0x80, s20  }
0x9f: {  	[hbm4b:s24+s3] =	stream.linear.scatter [tilespmem:s23], [sflag:$0x3], $0x400, $0x38;
	[tilespmem:$0x1F000] =	vst v63  }
0xa0: {  	s25 =	simm.s32 $0x1400;
	s26 =	sadd.s32 $0x100, s20  }
0xa1: {  	[hbm4b:s26+s3] =	stream.linear.scatter [tilespmem:s25], [sflag:$0x3], $0x400, $0x38;
	[tilespmem:$0x1F000] =	vst v63  }
0xa2: {  	s28 =	simm.s32 $0x1C00;
	s29 =	sadd.s32 $0x180, s20  }
0xa3: {  	[hbm4b:s29+s3] =	stream.linear.scatter [tilespmem:s28], [sflag:$0x3], $0x400, $0x38;
	[tilespmem:$0x1F000] =	vst v63  }
0xa4: {  	s31 =	sadd.s32 $0x200, s20;
	s30 =	simm.s32 $0x2400  }
0xa5: {  	[hbm4b:s31+s3] =	stream.linear.scatter [tilespmem:s30], [sflag:$0x3], $0x400, $0x38;
	[tilespmem:$0x1F000] =	vst v63  }
0xa6: {  	s21 =	simm.s32 $0x2C00;
	s22 =	sadd.s32 $0x280, s20  }
0xa7: {  	[hbm4b:s22+s3] =	stream.linear.scatter [tilespmem:s21], [sflag:$0x3], $0x400, $0x38;
	[tilespmem:$0x1F000] =	vst v63  }
0xa8: {  	s23 =	simm.s32 $0x3400;
	s24 =	sadd.s32 $0x300, s20  }
0xa9: {  	[hbm4b:s24+s3] =	stream.linear.scatter [tilespmem:s23], [sflag:$0x3], $0x400, $0x38;
	[tilespmem:$0x1F000] =	vst v63  }
0xaa: {  	s25 =	simm.s32 $0x3C00;
	s26 =	sadd.s32 $0x380, s20  }
0xab: {  	[hbm4b:s26+s3] =	stream.linear.scatter [tilespmem:s25], [sflag:$0x3], $0x400, $0x38;
	[tilespmem:$0x1F000] =	vst v63  }
0xac: {  	s28 =	simm.s32 $0x4400;
	s29 =	sadd.s32 $0x400, s20  }
0xad: {  	[hbm4b:s29+s3] =	stream.linear.scatter [tilespmem:s28], [sflag:$0x3], $0x400, $0x38;
	[tilespmem:$0x1F000] =	vst v63  }
0xae: {  	s30 =	simm.s32 $0x4C00;
	s31 =	sadd.s32 $0x480, s20  }
0xaf: {  	[hbm4b:s31+s3] =	stream.linear.scatter [tilespmem:s30], [sflag:$0x3], $0x400, $0x38;
	[tilespmem:$0x1F000] =	vst v63  }
0xb0: {  	s21 =	simm.s32 $0x5400;
	s22 =	sadd.s32 $0x500, s20  }
0xb1: {  	[hbm4b:s22+s3] =	stream.linear.scatter [tilespmem:s21], [sflag:$0x3], $0x400, $0x38;
	[tilespmem:$0x1F000] =	vst v63  }
0xb2: {  	s19 =	simm.s32 $0x2000;
	s23 =	simm.s32 $0x5C00;
	s24 =	sadd.s32 $0x580, s20  }
0xb3: {  	[hbm4b:s24+s3] =	stream.linear.scatter [tilespmem:s23], [sflag:$0x3], $0x400, $0x38;
	[tilespmem:$0x1F000] =	vst v63  }
0xb4: {  	s25 =	simm.s32 $0x6400;
	s26 =	sadd.s32 $0x600, s20;
	s28 =	simm.s32 $0x6C00  }
0xb5: {  	[hbm4b:s26+s3] =	stream.linear.scatter [tilespmem:s25], [sflag:$0x3], $0x400, $0x38;
	[tilespmem:$0x1F000] =	vst v63  }
0xb6: {  	s29 =	sadd.s32 $0x680, s20;
	s30 =	simm.s32 $0x7400;
	s31 =	sadd.s32 $0x700, s20  }
0xb7: {  	[hbm4b:s29+s3] =	stream.linear.scatter [tilespmem:s28], [sflag:$0x3], $0x400, $0x38;
	[tilespmem:$0x1F000] =	vst v63  }
0xb8: {  	s21 =	simm.s32 $0x7C00;
	s22 =	sadd.s32 $0x780, s20;
	s20 =	sadd.s32 $0xFFC00000, s7  }
0xb9: {  	[hbm4b:s31+s3] =	stream.linear.scatter [tilespmem:s30], [sflag:$0x3], $0x400, $0x38;
	[tilespmem:$0x1F000] =	vst v63  }
.LBB2_6:
0xba: {  	s23 =	sshrl.u32 s20, $0x3  }
0xbb: {  	p0 =	sne.s32 s19, $0x1E000;
	s24 =	smov.u32 s19;
	s19 =	sadd.s32 $0x2000, s19  }
0xbc: {  	[hbm4b:s22+s3] =	stream.linear.scatter [tilespmem:s21], [sflag:$0x3], $0x400, $0x38;
	[tilespmem:$0x1F000] =	vst v63  }
0xbd: {  	s22 =	sadd.s32 s1, s23;
	s21 =	sshra.s32 s24, $0x2  }
0xbe: {  	[hbm4b:s22+s3] =	stream.linear.scatter [tilespmem:s21], [sflag:$0x3], $0x400, $0x38;
	[tilespmem:$0x1F000] =	vst v63  }
0xbf: {  	s23 =	sadd.s32 $0x800, s21;
	s24 =	sadd.s32 $0x80, s22  }
0xc0: {  	[hbm4b:s24+s3] =	stream.linear.scatter [tilespmem:s23], [sflag:$0x3], $0x400, $0x38;
	[tilespmem:$0x1F000] =	vst v63  }
0xc1: {  	s23 =	sadd.s32 $0x1000, s21;
	s24 =	sadd.s32 $0x100, s22  }
0xc2: {  	[hbm4b:s24+s3] =	stream.linear.scatter [tilespmem:s23], [sflag:$0x3], $0x400, $0x38;
	[tilespmem:$0x1F000] =	vst v63  }
0xc3: {  	s23 =	sadd.s32 $0x1800, s21;
	s24 =	sadd.s32 $0x180, s22  }
0xc4: {  	[hbm4b:s24+s3] =	stream.linear.scatter [tilespmem:s23], [sflag:$0x3], $0x400, $0x38;
	[tilespmem:$0x1F000] =	vst v63  }
0xc5: {  	s23 =	sadd.s32 $0x2000, s21;
	s24 =	sadd.s32 $0x200, s22  }
0xc6: {  	[hbm4b:s24+s3] =	stream.linear.scatter [tilespmem:s23], [sflag:$0x3], $0x400, $0x38;
	[tilespmem:$0x1F000] =	vst v63  }
0xc7: {  	s23 =	sadd.s32 $0x2800, s21;
	s24 =	sadd.s32 $0x280, s22  }
0xc8: {  	[hbm4b:s24+s3] =	stream.linear.scatter [tilespmem:s23], [sflag:$0x3], $0x400, $0x38;
	[tilespmem:$0x1F000] =	vst v63  }
0xc9: {  	s23 =	sadd.s32 $0x3000, s21;
	s24 =	sadd.s32 $0x300, s22  }
0xca: {  	[hbm4b:s24+s3] =	stream.linear.scatter [tilespmem:s23], [sflag:$0x3], $0x400, $0x38;
	[tilespmem:$0x1F000] =	vst v63  }
0xcb: {  	s23 =	sadd.s32 $0x3800, s21;
	s24 =	sadd.s32 $0x380, s22  }
0xcc: {  	[hbm4b:s24+s3] =	stream.linear.scatter [tilespmem:s23], [sflag:$0x3], $0x400, $0x38;
	[tilespmem:$0x1F000] =	vst v63  }
0xcd: {  	s23 =	sadd.s32 $0x4000, s21;
	s24 =	sadd.s32 $0x400, s22  }
0xce: {  	[hbm4b:s24+s3] =	stream.linear.scatter [tilespmem:s23], [sflag:$0x3], $0x400, $0x38;
	[tilespmem:$0x1F000] =	vst v63  }
0xcf: {  	s23 =	sadd.s32 $0x4800, s21;
	s24 =	sadd.s32 $0x480, s22  }
0xd0: {  	[hbm4b:s24+s3] =	stream.linear.scatter [tilespmem:s23], [sflag:$0x3], $0x400, $0x38;
	[tilespmem:$0x1F000] =	vst v63  }
0xd1: {  	s23 =	sadd.s32 $0x5000, s21;
	s24 =	sadd.s32 $0x500, s22  }
0xd2: {  	[hbm4b:s24+s3] =	stream.linear.scatter [tilespmem:s23], [sflag:$0x3], $0x400, $0x38;
	[tilespmem:$0x1F000] =	vst v63  }
0xd3: {  	s23 =	sadd.s32 $0x5800, s21;
	s24 =	sadd.s32 $0x580, s22  }
0xd4: {  	[hbm4b:s24+s3] =	stream.linear.scatter [tilespmem:s23], [sflag:$0x3], $0x400, $0x38;
	[tilespmem:$0x1F000] =	vst v63  }
0xd5: {  	s23 =	sadd.s32 $0x6000, s21;
	s24 =	sadd.s32 $0x600, s22  }
0xd6: {  	[hbm4b:s24+s3] =	stream.linear.scatter [tilespmem:s23], [sflag:$0x3], $0x400, $0x38;
	[tilespmem:$0x1F000] =	vst v63  }
0xd7: {  	s23 =	sadd.s32 $0x6800, s21;
	s24 =	sadd.s32 $0x680, s22  }
0xd8: {  	[hbm4b:s24+s3] =	stream.linear.scatter [tilespmem:s23], [sflag:$0x3], $0x400, $0x38;
	[tilespmem:$0x1F000] =	vst v63  }
0xd9: {  	s23 =	sadd.s32 $0x7000, s21;
	s24 =	sadd.s32 $0x700, s22  }
0xda: {  	[hbm4b:s24+s3] =	stream.linear.scatter [tilespmem:s23], [sflag:$0x3], $0x400, $0x38;
	[tilespmem:$0x1F000] =	vst v63  }
0xdb: {  	s22 =	sadd.s32 $0x780, s22;
	s23 =	sadd.s32 $0x7800, s21;
	s24 =	sadd.s32 $0x4000, s20  }
0xdc: {  	[hbm4b:s22+s3] =	stream.linear.scatter [tilespmem:s23], [sflag:$0x3], $0x400, $0x38;
	[tilespmem:$0x1F000] =	vst v63  }
0xdd: {  	s22 =	sshrl.u32 s24, $0x3  }
0xde: {  	s23 =	sadd.s32 $0x400, s21;
	s24 =	sadd.s32 $0xC00, s21;
	s22 =	sadd.s32 s1, s22  }
0xdf: {  	[hbm4b:s22+s3] =	stream.linear.scatter [tilespmem:s23], [sflag:$0x3], $0x400, $0x38;
	[tilespmem:$0x1F000] =	vst v63  }
0xe0: {  	s25 =	sadd.s32 $0x1400, s21;
	s26 =	sadd.s32 $0x100, s22;
	s23 =	sadd.s32 $0x80, s22  }
0xe1: {  	[hbm4b:s23+s3] =	stream.linear.scatter [tilespmem:s24], [sflag:$0x3], $0x400, $0x38;
	[tilespmem:$0x1F000] =	vst v63  }
0xe2: {  	s23 =	sadd.s32 $0x1C00, s21;
	s24 =	sadd.s32 $0x180, s22  }
0xe3: {  	[hbm4b:s26+s3] =	stream.linear.scatter [tilespmem:s25], [sflag:$0x3], $0x400, $0x38;
	[tilespmem:$0x1F000] =	vst v63  }
0xe4: {  	s25 =	sadd.s32 $0x2400, s21;
	s26 =	sadd.s32 $0x200, s22  }
0xe5: {  	[hbm4b:s24+s3] =	stream.linear.scatter [tilespmem:s23], [sflag:$0x3], $0x400, $0x38;
	[tilespmem:$0x1F000] =	vst v63  }
0xe6: {  	s23 =	sadd.s32 $0x2C00, s21;
	s24 =	sadd.s32 $0x280, s22  }
0xe7: {  	[hbm4b:s26+s3] =	stream.linear.scatter [tilespmem:s25], [sflag:$0x3], $0x400, $0x38;
	[tilespmem:$0x1F000] =	vst v63  }
0xe8: {  	s25 =	sadd.s32 $0x3400, s21;
	s26 =	sadd.s32 $0x300, s22  }
0xe9: {  	[hbm4b:s24+s3] =	stream.linear.scatter [tilespmem:s23], [sflag:$0x3], $0x400, $0x38;
	[tilespmem:$0x1F000] =	vst v63  }
0xea: {  	s23 =	sadd.s32 $0x3C00, s21;
	s24 =	sadd.s32 $0x380, s22  }
0xeb: {  	[hbm4b:s26+s3] =	stream.linear.scatter [tilespmem:s25], [sflag:$0x3], $0x400, $0x38;
	[tilespmem:$0x1F000] =	vst v63  }
0xec: {  	s25 =	sadd.s32 $0x4400, s21;
	s26 =	sadd.s32 $0x400, s22  }
0xed: {  	[hbm4b:s24+s3] =	stream.linear.scatter [tilespmem:s23], [sflag:$0x3], $0x400, $0x38;
	[tilespmem:$0x1F000] =	vst v63  }
0xee: {  	s23 =	sadd.s32 $0x4C00, s21;
	s24 =	sadd.s32 $0x480, s22  }
0xef: {  	[hbm4b:s26+s3] =	stream.linear.scatter [tilespmem:s25], [sflag:$0x3], $0x400, $0x38;
	[tilespmem:$0x1F000] =	vst v63  }
0xf0: {  	s25 =	sadd.s32 $0x5400, s21;
	s26 =	sadd.s32 $0x500, s22  }
0xf1: {  	[hbm4b:s24+s3] =	stream.linear.scatter [tilespmem:s23], [sflag:$0x3], $0x400, $0x38;
	[tilespmem:$0x1F000] =	vst v63  }
0xf2: {  	s23 =	sadd.s32 $0x5C00, s21;
	s24 =	sadd.s32 $0x580, s22  }
0xf3: {  	[hbm4b:s26+s3] =	stream.linear.scatter [tilespmem:s25], [sflag:$0x3], $0x400, $0x38;
	[tilespmem:$0x1F000] =	vst v63  }
0xf4: {  	s25 =	sadd.s32 $0x6400, s21;
	s26 =	sadd.s32 $0x600, s22  }
0xf5: {  	[hbm4b:s24+s3] =	stream.linear.scatter [tilespmem:s23], [sflag:$0x3], $0x400, $0x38;
	[tilespmem:$0x1F000] =	vst v63  }
0xf6: {  	s23 =	sadd.s32 $0x6C00, s21;
	s24 =	sadd.s32 $0x680, s22  }
0xf7: {  	[hbm4b:s26+s3] =	stream.linear.scatter [tilespmem:s25], [sflag:$0x3], $0x400, $0x38;
	[tilespmem:$0x1F000] =	vst v63  }
.Ltmp2:
0xf8: {  	_ = 	snop;
	(pc) =	sbr.rel @p0 .LBB2_6-.Ltmp2, $4  }
0xf9: {  	s25 =	sadd.s32 $0x7400, s21;
	s26 =	sadd.s32 $0x700, s22  }
0xfa: {  	[hbm4b:s24+s3] =	stream.linear.scatter [tilespmem:s23], [sflag:$0x3], $0x400, $0x38;
	[tilespmem:$0x1F000] =	vst v63  }
0xfb: {  	s20 =	sadd.s32 $0xFFC00000, s20;
	s21 =	sadd.s32 $0x7C00, s21;
	s22 =	sadd.s32 $0x780, s22  }
0xfc: {  	[hbm4b:s26+s3] =	stream.linear.scatter [tilespmem:s25], [sflag:$0x3], $0x400, $0x38;
	[tilespmem:$0x1F000] =	vst v63  }
0xfd: {  	[hbm4b:s22+s3] =	stream.linear.scatter [tilespmem:s21], [sflag:$0x3], $0x400, $0x38;
	[tilespmem:$0x1F000] =	vst v63  }
0xfe: {  	_ =	swait.ge [sflag:s16], $0x4000  }
0xff: {  	[sflag:s16] =	ssyncset.done $0x0  }
0x100: {  	[sflag:s16] =	ssyncadd.s32 $0xFFFFC000  }
0x101: {  	_ =	swait.ge [sflag:s16], $0x4000  }
0x102: {  	[sflag:s16] =	ssyncset.done $0x0  }
0x103: {  	[sflag:s16] =	ssyncadd.s32 $0xFFFFC000  }
0x104: {  	_ =	swait.ge [sflag:s16], $0x4000  }
0x105: {  	[sflag:s16] =	ssyncset.done $0x0  }
0x106: {  	[sflag:s16] =	ssyncadd.s32 $0xFFFFC000  }
0x107: {  	_ =	swait.ge [sflag:s16], $0x4000  }
0x108: {  	[sflag:s16] =	ssyncset.done $0x0  }
0x109: {  	[sflag:s16] =	ssyncadd.s32 $0xFFFFC000  }
0x10a: {  	_ =	swait.ge [sflag:s16], $0x4000  }
0x10b: {  	[sflag:s16] =	ssyncset.done $0x0  }
0x10c: {  	[sflag:s16] =	ssyncadd.s32 $0xFFFFC000  }
0x10d: {  	_ =	swait.ge [sflag:s16], $0x4000  }
0x10e: {  	[sflag:s16] =	ssyncset.done $0x0  }
0x10f: {  	[sflag:s16] =	ssyncadd.s32 $0xFFFFC000  }
0x110: {  	_ =	swait.ge [sflag:s16], $0x4000  }
0x111: {  	[sflag:s16] =	ssyncset.done $0x0  }
0x112: {  	[sflag:s16] =	ssyncadd.s32 $0xFFFFC000  }
0x113: {  	_ =	swait.ge [sflag:s16], $0x4000  }
0x114: {  	[sflag:s16] =	ssyncset.done $0x0  }
0x115: {  	[sflag:s16] =	ssyncadd.s32 $0xFFFFC000  }
0x116: {  	_ =	swait.ge [sflag:s16], $0x4000  }
0x117: {  	[sflag:s16] =	ssyncset.done $0x0  }
0x118: {  	[sflag:s16] =	ssyncadd.s32 $0xFFFFC000  }
0x119: {  	_ =	swait.ge [sflag:s16], $0x4000  }
0x11a: {  	[sflag:s16] =	ssyncset.done $0x0  }
0x11b: {  	[sflag:s16] =	ssyncadd.s32 $0xFFFFC000  }
0x11c: {  	_ =	swait.ge [sflag:s16], $0x4000  }
0x11d: {  	[sflag:s16] =	ssyncset.done $0x0  }
0x11e: {  	[sflag:s16] =	ssyncadd.s32 $0xFFFFC000  }
0x11f: {  	_ =	swait.ge [sflag:s16], $0x4000  }
0x120: {  	[sflag:s16] =	ssyncset.done $0x0  }
0x121: {  	[sflag:s16] =	ssyncadd.s32 $0xFFFFC000  }
0x122: {  	_ =	swait.ge [sflag:s16], $0x4000  }
0x123: {  	[sflag:s16] =	ssyncset.done $0x0  }
0x124: {  	[sflag:s16] =	ssyncadd.s32 $0xFFFFC000  }
0x125: {  	_ =	swait.ge [sflag:s16], $0x4000  }
0x126: {  	[sflag:s16] =	ssyncset.done $0x0  }
0x127: {  	[sflag:s16] =	ssyncadd.s32 $0xFFFFC000  }
0x128: {  	_ =	swait.ge [sflag:s16], $0x4000  }
0x129: {  	[sflag:s16] =	ssyncset.done $0x0  }
0x12a: {  	[sflag:s16] =	ssyncadd.s32 $0xFFFFC000  }
0x12b: {  	_ =	swait.ge [sflag:s16], $0x4000  }
0x12c: {  	[sflag:s16] =	ssyncset.done $0x0  }
0x12d: {  	[sflag:s16] =	ssyncadd.s32 $0xFFFFC000  }
0x12e: {  	_ =	swait.ge [sflag:s16], $0x4000  }
0x12f: {  	[sflag:s16] =	ssyncset.done $0x0  }
0x130: {  	[sflag:s16] =	ssyncadd.s32 $0xFFFFC000  }
0x131: {  	_ =	swait.ge [sflag:s16], $0x4000  }
0x132: {  	[sflag:s16] =	ssyncset.done $0x0  }
0x133: {  	[sflag:s16] =	ssyncadd.s32 $0xFFFFC000  }
0x134: {  	_ =	swait.ge [sflag:s16], $0x4000  }
0x135: {  	[sflag:s16] =	ssyncset.done $0x0  }
0x136: {  	[sflag:s16] =	ssyncadd.s32 $0xFFFFC000  }
0x137: {  	_ =	swait.ge [sflag:s16], $0x4000  }
0x138: {  	[sflag:s16] =	ssyncset.done $0x0  }
0x139: {  	[sflag:s16] =	ssyncadd.s32 $0xFFFFC000  }
0x13a: {  	_ =	swait.ge [sflag:s16], $0x4000  }
0x13b: {  	[sflag:s16] =	ssyncset.done $0x0  }
0x13c: {  	[sflag:s16] =	ssyncadd.s32 $0xFFFFC000  }
0x13d: {  	_ =	swait.ge [sflag:s16], $0x4000  }
0x13e: {  	[sflag:s16] =	ssyncset.done $0x0  }
0x13f: {  	[sflag:s16] =	ssyncadd.s32 $0xFFFFC000  }
0x140: {  	_ =	swait.ge [sflag:s16], $0x4000  }
0x141: {  	[sflag:s16] =	ssyncset.done $0x0  }
0x142: {  	[sflag:s16] =	ssyncadd.s32 $0xFFFFC000  }
0x143: {  	_ =	swait.ge [sflag:s16], $0x4000  }
0x144: {  	[sflag:s16] =	ssyncset.done $0x0  }
0x145: {  	[sflag:s16] =	ssyncadd.s32 $0xFFFFC000  }
0x146: {  	_ =	swait.ge [sflag:s16], $0x4000  }
0x147: {  	[sflag:s16] =	ssyncset.done $0x0  }
0x148: {  	[sflag:s16] =	ssyncadd.s32 $0xFFFFC000  }
0x149: {  	_ =	swait.ge [sflag:s16], $0x4000  }
0x14a: {  	[sflag:s16] =	ssyncset.done $0x0  }
0x14b: {  	[sflag:s16] =	ssyncadd.s32 $0xFFFFC000  }
0x14c: {  	_ =	swait.ge [sflag:s16], $0x4000  }
0x14d: {  	[sflag:s16] =	ssyncset.done $0x0  }
0x14e: {  	[sflag:s16] =	ssyncadd.s32 $0xFFFFC000  }
0x14f: {  	_ =	swait.ge [sflag:s16], $0x4000  }
0x150: {  	[sflag:s16] =	ssyncset.done $0x0  }
0x151: {  	[sflag:s16] =	ssyncadd.s32 $0xFFFFC000  }
0x152: {  	_ =	swait.ge [sflag:s16], $0x4000  }
0x153: {  	[sflag:s16] =	ssyncset.done $0x0  }
0x154: {  	[sflag:s16] =	ssyncadd.s32 $0xFFFFC000  }
0x155: {  	_ =	swait.ge [sflag:s16], $0x4000  }
0x156: {  	[sflag:s16] =	ssyncset.done $0x0  }
0x157: {  	[sflag:s16] =	ssyncadd.s32 $0xFFFFC000  }
0x158: {  	_ =	swait.ge [sflag:s16], $0x4000  }
0x159: {  	[sflag:s16] =	ssyncset.done $0x0  }
0x15a: {  	[sflag:s16] =	ssyncadd.s32 $0xFFFFC000  }
0x15b: {  	_ =	swait.ge [sflag:s16], $0x4000  }
0x15c: {  	[sflag:s16] =	ssyncset.done $0x0  }
0x15d: {  	[sflag:s16] =	ssyncadd.s32 $0xFFFFC000  }
0x15e: {  	_ =	swait.ge [sflag:s17], $0x800  }
0x15f: {  	[sflag:s17] =	ssyncset.done $0x0  }
0x160: {  	[sflag:s17] =	ssyncadd.s32 $0xFFFFF800  }
0x161: {  	_ =	swait.ge [sflag:s17], $0x800  }
0x162: {  	[sflag:s17] =	ssyncset.done $0x0  }
0x163: {  	[sflag:s17] =	ssyncadd.s32 $0xFFFFF800  }
0x164: {  	_ =	swait.ge [sflag:s17], $0x800  }
0x165: {  	[sflag:s17] =	ssyncset.done $0x0  }
0x166: {  	[sflag:s17] =	ssyncadd.s32 $0xFFFFF800  }
0x167: {  	_ =	swait.ge [sflag:s17], $0x800  }
0x168: {  	[sflag:s17] =	ssyncset.done $0x0  }
0x169: {  	[sflag:s17] =	ssyncadd.s32 $0xFFFFF800  }
0x16a: {  	_ =	swait.ge [sflag:s17], $0x800  }
0x16b: {  	[sflag:s17] =	ssyncset.done $0x0  }
0x16c: {  	[sflag:s17] =	ssyncadd.s32 $0xFFFFF800  }
0x16d: {  	_ =	swait.ge [sflag:s17], $0x800  }
0x16e: {  	[sflag:s17] =	ssyncset.done $0x0  }
0x16f: {  	[sflag:s17] =	ssyncadd.s32 $0xFFFFF800  }
0x170: {  	_ =	swait.ge [sflag:s17], $0x800  }
0x171: {  	[sflag:s17] =	ssyncset.done $0x0  }
0x172: {  	[sflag:s17] =	ssyncadd.s32 $0xFFFFF800  }
0x173: {  	_ =	swait.ge [sflag:s17], $0x800  }
0x174: {  	[sflag:s17] =	ssyncset.done $0x0  }
0x175: {  	[sflag:s17] =	ssyncadd.s32 $0xFFFFF800  }
0x176: {  	_ =	swait.ge [sflag:s17], $0x800  }
0x177: {  	[sflag:s17] =	ssyncset.done $0x0  }
0x178: {  	[sflag:s17] =	ssyncadd.s32 $0xFFFFF800  }
0x179: {  	_ =	swait.ge [sflag:s17], $0x800  }
0x17a: {  	[sflag:s17] =	ssyncset.done $0x0  }
0x17b: {  	[sflag:s17] =	ssyncadd.s32 $0xFFFFF800  }
0x17c: {  	_ =	swait.ge [sflag:s17], $0x800  }
0x17d: {  	[sflag:s17] =	ssyncset.done $0x0  }
0x17e: {  	[sflag:s17] =	ssyncadd.s32 $0xFFFFF800  }
0x17f: {  	_ =	swait.ge [sflag:s17], $0x800  }
0x180: {  	[sflag:s17] =	ssyncset.done $0x0  }
0x181: {  	[sflag:s17] =	ssyncadd.s32 $0xFFFFF800  }
0x182: {  	_ =	swait.ge [sflag:s17], $0x800  }
0x183: {  	[sflag:s17] =	ssyncset.done $0x0  }
0x184: {  	[sflag:s17] =	ssyncadd.s32 $0xFFFFF800  }
0x185: {  	_ =	swait.ge [sflag:s17], $0x800  }
0x186: {  	[sflag:s17] =	ssyncset.done $0x0  }
0x187: {  	[sflag:s17] =	ssyncadd.s32 $0xFFFFF800  }
0x188: {  	_ =	swait.ge [sflag:s17], $0x800  }
0x189: {  	[sflag:s17] =	ssyncset.done $0x0  }
0x18a: {  	[sflag:s17] =	ssyncadd.s32 $0xFFFFF800  }
0x18b: {  	_ =	swait.ge [sflag:s17], $0x800  }
0x18c: {  	[sflag:s17] =	ssyncset.done $0x0  }
0x18d: {  	[sflag:s17] =	ssyncadd.s32 $0xFFFFF800  }
0x18e: {  	_ =	swait.ge [sflag:s17], $0x800  }
0x18f: {  	[sflag:s17] =	ssyncset.done $0x0  }
0x190: {  	[sflag:s17] =	ssyncadd.s32 $0xFFFFF800  }
0x191: {  	_ =	swait.ge [sflag:s17], $0x800  }
0x192: {  	[sflag:s17] =	ssyncset.done $0x0  }
0x193: {  	[sflag:s17] =	ssyncadd.s32 $0xFFFFF800  }
0x194: {  	_ =	swait.ge [sflag:s17], $0x800  }
0x195: {  	[sflag:s17] =	ssyncset.done $0x0  }
0x196: {  	[sflag:s17] =	ssyncadd.s32 $0xFFFFF800  }
0x197: {  	_ =	swait.ge [sflag:s17], $0x800  }
0x198: {  	[sflag:s17] =	ssyncset.done $0x0  }
0x199: {  	[sflag:s17] =	ssyncadd.s32 $0xFFFFF800  }
0x19a: {  	_ =	swait.ge [sflag:s17], $0x800  }
0x19b: {  	[sflag:s17] =	ssyncset.done $0x0  }
0x19c: {  	[sflag:s17] =	ssyncadd.s32 $0xFFFFF800  }
0x19d: {  	_ =	swait.ge [sflag:s17], $0x800  }
0x19e: {  	[sflag:s17] =	ssyncset.done $0x0  }
0x19f: {  	[sflag:s17] =	ssyncadd.s32 $0xFFFFF800  }
0x1a0: {  	_ =	swait.ge [sflag:s17], $0x800  }
0x1a1: {  	[sflag:s17] =	ssyncset.done $0x0  }
0x1a2: {  	[sflag:s17] =	ssyncadd.s32 $0xFFFFF800  }
0x1a3: {  	_ =	swait.ge [sflag:s17], $0x800  }
0x1a4: {  	[sflag:s17] =	ssyncset.done $0x0  }
0x1a5: {  	[sflag:s17] =	ssyncadd.s32 $0xFFFFF800  }
0x1a6: {  	_ =	swait.ge [sflag:s17], $0x800  }
0x1a7: {  	[sflag:s17] =	ssyncset.done $0x0  }
0x1a8: {  	[sflag:s17] =	ssyncadd.s32 $0xFFFFF800  }
0x1a9: {  	_ =	swait.ge [sflag:s17], $0x800  }
0x1aa: {  	[sflag:s17] =	ssyncset.done $0x0  }
0x1ab: {  	[sflag:s17] =	ssyncadd.s32 $0xFFFFF800  }
0x1ac: {  	_ =	swait.ge [sflag:s17], $0x800  }
0x1ad: {  	[sflag:s17] =	ssyncset.done $0x0  }
0x1ae: {  	[sflag:s17] =	ssyncadd.s32 $0xFFFFF800  }
0x1af: {  	_ =	swait.ge [sflag:s17], $0x800  }
0x1b0: {  	[sflag:s17] =	ssyncset.done $0x0  }
0x1b1: {  	[sflag:s17] =	ssyncadd.s32 $0xFFFFF800  }
0x1b2: {  	_ =	swait.ge [sflag:s17], $0x800  }
0x1b3: {  	[sflag:s17] =	ssyncset.done $0x0  }
0x1b4: {  	[sflag:s17] =	ssyncadd.s32 $0xFFFFF800  }
0x1b5: {  	_ =	swait.ge [sflag:s17], $0x800  }
0x1b6: {  	[sflag:s17] =	ssyncset.done $0x0  }
0x1b7: {  	[sflag:s17] =	ssyncadd.s32 $0xFFFFF800  }
0x1b8: {  	_ =	swait.ge [sflag:s17], $0x800  }
0x1b9: {  	s19 =	simm.s32 $0x0;
	s20 =	simm.s32 $0x10;
	[sflag:s17] =	ssyncset.done $0x0  }
0x1ba: {  	s22 =	sadd.s32 $0x0, s8;
	s21 =	simm.s32 $0x800;
	[sflag:s17] =	ssyncadd.s32 $0xFFFFF800  }
.LBB2_8:
0x1bb: {  	[tilespmem:s19], [sflag:$0x1] =	stream.strided.gather [hbm4b:s22+s13], $0x800, s14, s13, $0x38;
	[tilespmem:$0x1F000] =	vst v63  }
0x1bc: {  	s22 =	smov.u32 s20;
	s19 =	smov.u32 s21;
	p0 =	sne.s32 s20, $0x1E0  }
.Ltmp3:
0x1bd: {  	s20 =	sadd.s32 $0x10, s20;
	(pc) =	sbr.rel @p0 .LBB2_8-.Ltmp3, $2  }
0x1be: {  	_ =	sdelay $0x2  }
0x1bf: {  	s21 =	sadd.s32 $0x800, s21;
	s22 =	sadd.s32 s22, s8  }
0x1c0: {  	[tilespmem:s19], [sflag:$0x1] =	stream.strided.gather [hbm4b:s22+s13], $0x800, s14, s13, $0x38;
	[tilespmem:$0x1F000] =	vst v63  }
0x1c1: {  	s21 =	sshrl.u32 s9, $0x3  }
0x1c2: {  	s20 =	simm.s32 $0xF800;
	s19 =	sadd.s32 s1, s21  }
0x1c3: {  	[hbm4b:s19+s3] =	stream.linear.scatter [tilespmem:s20], [sflag:$0x3], $0x400, $0x38;
	[tilespmem:$0x1F000] =	vst v63  }
0x1c4: {  	s22 =	simm.s32 $0x10000;
	s21 =	sadd.s32 $0x80, s19  }
0x1c5: {  	[hbm4b:s21+s3] =	stream.linear.scatter [tilespmem:s22], [sflag:$0x3], $0x400, $0x38;
	[tilespmem:$0x1F000] =	vst v63  }
0x1c6: {  	s23 =	simm.s32 $0x10800;
	s24 =	sadd.s32 $0x100, s19  }
0x1c7: {  	[hbm4b:s24+s3] =	stream.linear.scatter [tilespmem:s23], [sflag:$0x3], $0x400, $0x38;
	[tilespmem:$0x1F000] =	vst v63  }
0x1c8: {  	s25 =	simm.s32 $0x11000;
	s26 =	sadd.s32 $0x180, s19  }
0x1c9: {  	[hbm4b:s26+s3] =	stream.linear.scatter [tilespmem:s25], [sflag:$0x3], $0x400, $0x38;
	[tilespmem:$0x1F000] =	vst v63  }
0x1ca: {  	s28 =	simm.s32 $0x11800;
	s29 =	sadd.s32 $0x200, s19  }
0x1cb: {  	[hbm4b:s29+s3] =	stream.linear.scatter [tilespmem:s28], [sflag:$0x3], $0x400, $0x38;
	[tilespmem:$0x1F000] =	vst v63  }
0x1cc: {  	s30 =	simm.s32 $0x12000;
	s31 =	sadd.s32 $0x280, s19  }
0x1cd: {  	[hbm4b:s31+s3] =	stream.linear.scatter [tilespmem:s30], [sflag:$0x3], $0x400, $0x38;
	[tilespmem:$0x1F000] =	vst v63  }
0x1ce: {  	s21 =	simm.s32 $0x12800;
	s22 =	sadd.s32 $0x300, s19  }
0x1cf: {  	[hbm4b:s22+s3] =	stream.linear.scatter [tilespmem:s21], [sflag:$0x3], $0x400, $0x38;
	[tilespmem:$0x1F000] =	vst v63  }
0x1d0: {  	s23 =	simm.s32 $0x13000;
	s24 =	sadd.s32 $0x380, s19  }
0x1d1: {  	[hbm4b:s24+s3] =	stream.linear.scatter [tilespmem:s23], [sflag:$0x3], $0x400, $0x38;
	[tilespmem:$0x1F000] =	vst v63  }
0x1d2: {  	s25 =	simm.s32 $0x13800;
	s26 =	sadd.s32 $0x400, s19  }
0x1d3: {  	[hbm4b:s26+s3] =	stream.linear.scatter [tilespmem:s25], [sflag:$0x3], $0x400, $0x38;
	[tilespmem:$0x1F000] =	vst v63  }
0x1d4: {  	s28 =	simm.s32 $0x14000;
	s29 =	sadd.s32 $0x480, s19  }
0x1d5: {  	[hbm4b:s29+s3] =	stream.linear.scatter [tilespmem:s28], [sflag:$0x3], $0x400, $0x38;
	[tilespmem:$0x1F000] =	vst v63  }
0x1d6: {  	s30 =	simm.s32 $0x14800;
	s31 =	sadd.s32 $0x500, s19  }
0x1d7: {  	[hbm4b:s31+s3] =	stream.linear.scatter [tilespmem:s30], [sflag:$0x3], $0x400, $0x38;
	[tilespmem:$0x1F000] =	vst v63  }
0x1d8: {  	s21 =	simm.s32 $0x15000;
	s22 =	sadd.s32 $0x580, s19  }
0x1d9: {  	[hbm4b:s22+s3] =	stream.linear.scatter [tilespmem:s21], [sflag:$0x3], $0x400, $0x38;
	[tilespmem:$0x1F000] =	vst v63  }
0x1da: {  	s23 =	simm.s32 $0x15800;
	s24 =	sadd.s32 $0x600, s19  }
0x1db: {  	[hbm4b:s24+s3] =	stream.linear.scatter [tilespmem:s23], [sflag:$0x3], $0x400, $0x38;
	[tilespmem:$0x1F000] =	vst v63  }
0x1dc: {  	s25 =	simm.s32 $0x16000;
	s26 =	sadd.s32 $0x680, s19  }
0x1dd: {  	[hbm4b:s26+s3] =	stream.linear.scatter [tilespmem:s25], [sflag:$0x3], $0x400, $0x38;
	[tilespmem:$0x1F000] =	vst v63  }
0x1de: {  	s28 =	simm.s32 $0x16800;
	s29 =	sadd.s32 $0x700, s19;
	s31 =	sadd.s32 $0x4000, s9  }
0x1df: {  	[hbm4b:s29+s3] =	stream.linear.scatter [tilespmem:s28], [sflag:$0x3], $0x400, $0x38;
	[tilespmem:$0x1F000] =	vst v63  }
0x1e0: {  	s19 =	sadd.s32 $0x780, s19;
	s30 =	simm.s32 $0x17000;
	s21 =	sshrl.u32 s31, $0x3  }
0x1e1: {  	[hbm4b:s19+s3] =	stream.linear.scatter [tilespmem:s30], [sflag:$0x3], $0x400, $0x38;
	[tilespmem:$0x1F000] =	vst v63  }
0x1e2: {  	s22 =	simm.s32 $0xFC00;
	s19 =	sadd.s32 s1, s21  }
0x1e3: {  	[hbm4b:s19+s3] =	stream.linear.scatter [tilespmem:s22], [sflag:$0x3], $0x400, $0x38;
	[tilespmem:$0x1F000] =	vst v63  }
0x1e4: {  	s23 =	simm.s32 $0x10400;
	s24 =	sadd.s32 $0x80, s19  }
0x1e5: {  	[hbm4b:s24+s3] =	stream.linear.scatter [tilespmem:s23], [sflag:$0x3], $0x400, $0x38;
	[tilespmem:$0x1F000] =	vst v63  }
0x1e6: {  	s25 =	simm.s32 $0x10C00;
	s26 =	sadd.s32 $0x100, s19  }
0x1e7: {  	[hbm4b:s26+s3] =	stream.linear.scatter [tilespmem:s25], [sflag:$0x3], $0x400, $0x38;
	[tilespmem:$0x1F000] =	vst v63  }
0x1e8: {  	s28 =	simm.s32 $0x11400;
	s29 =	sadd.s32 $0x180, s19  }
0x1e9: {  	[hbm4b:s29+s3] =	stream.linear.scatter [tilespmem:s28], [sflag:$0x3], $0x400, $0x38;
	[tilespmem:$0x1F000] =	vst v63  }
0x1ea: {  	s30 =	simm.s32 $0x11C00;
	s31 =	sadd.s32 $0x200, s19  }
0x1eb: {  	[hbm4b:s31+s3] =	stream.linear.scatter [tilespmem:s30], [sflag:$0x3], $0x400, $0x38;
	[tilespmem:$0x1F000] =	vst v63  }
0x1ec: {  	s21 =	simm.s32 $0x12400;
	s22 =	sadd.s32 $0x280, s19  }
0x1ed: {  	[hbm4b:s22+s3] =	stream.linear.scatter [tilespmem:s21], [sflag:$0x3], $0x400, $0x38;
	[tilespmem:$0x1F000] =	vst v63  }
0x1ee: {  	s23 =	simm.s32 $0x12C00;
	s24 =	sadd.s32 $0x300, s19  }
0x1ef: {  	[hbm4b:s24+s3] =	stream.linear.scatter [tilespmem:s23], [sflag:$0x3], $0x400, $0x38;
	[tilespmem:$0x1F000] =	vst v63  }
0x1f0: {  	s25 =	simm.s32 $0x13400;
	s26 =	sadd.s32 $0x380, s19  }
0x1f1: {  	[hbm4b:s26+s3] =	stream.linear.scatter [tilespmem:s25], [sflag:$0x3], $0x400, $0x38;
	[tilespmem:$0x1F000] =	vst v63  }
0x1f2: {  	s28 =	simm.s32 $0x13C00;
	s29 =	sadd.s32 $0x400, s19  }
0x1f3: {  	[hbm4b:s29+s3] =	stream.linear.scatter [tilespmem:s28], [sflag:$0x3], $0x400, $0x38;
	[tilespmem:$0x1F000] =	vst v63  }
0x1f4: {  	s30 =	simm.s32 $0x14400;
	s31 =	sadd.s32 $0x480, s19  }
0x1f5: {  	[hbm4b:s31+s3] =	stream.linear.scatter [tilespmem:s30], [sflag:$0x3], $0x400, $0x38;
	[tilespmem:$0x1F000] =	vst v63  }
0x1f6: {  	s21 =	simm.s32 $0x14C00;
	s22 =	sadd.s32 $0x500, s19  }
0x1f7: {  	[hbm4b:s22+s3] =	stream.linear.scatter [tilespmem:s21], [sflag:$0x3], $0x400, $0x38;
	[tilespmem:$0x1F000] =	vst v63  }
0x1f8: {  	s23 =	simm.s32 $0x15400;
	s24 =	sadd.s32 $0x580, s19;
	s25 =	simm.s32 $0x15C00  }
0x1f9: {  	[hbm4b:s24+s3] =	stream.linear.scatter [tilespmem:s23], [sflag:$0x3], $0x400, $0x38;
	[tilespmem:$0x1F000] =	vst v63  }
0x1fa: {  	s26 =	sadd.s32 $0x600, s19;
	s28 =	simm.s32 $0x16400;
	s29 =	sadd.s32 $0x680, s19  }
0x1fb: {  	[hbm4b:s26+s3] =	stream.linear.scatter [tilespmem:s25], [sflag:$0x3], $0x400, $0x38;
	[tilespmem:$0x1F000] =	vst v63  }
0x1fc: {  	s30 =	simm.s32 $0x16C00;
	s31 =	sadd.s32 $0x700, s19;
	s22 =	sadd.s32 $0x780, s19  }
0x1fd: {  	[hbm4b:s29+s3] =	stream.linear.scatter [tilespmem:s28], [sflag:$0x3], $0x400, $0x38;
	[tilespmem:$0x1F000] =	vst v63  }
0x1fe: {  	s19 =	sadd.s32 $0xFFC00000, s9;
	s24 =	simm.s32 $0x2000;
	s23 =	simm.s32 $0x17400  }
0x1ff: {  	[hbm4b:s31+s3] =	stream.linear.scatter [tilespmem:s30], [sflag:$0x3], $0x400, $0x38;
	[tilespmem:$0x1F000] =	vst v63  }
.LBB2_10:
0x200: {  	s20 =	smov.u32 s24  }
0x201: {  	s25 =	sshrl.u32 s19, $0x3;
	s21 =	sshra.s32 s24, $0x2;
	s20 =	sadd.s32 $0x2000, s24  }
0x202: {  	[hbm4b:s22+s3] =	stream.linear.scatter [tilespmem:s23], [sflag:$0x3], $0x400, $0x38;
	[tilespmem:$0x1F000] =	vst v63  }
0x203: {  	p0 =	sne.s32 s24, $0x1E000;
	s22 =	sadd.s32 s1, s25;
	s23 =	sadd.s32 $0xF800, s21  }
0x204: {  	[hbm4b:s22+s3] =	stream.linear.scatter [tilespmem:s23], [sflag:$0x3], $0x400, $0x38;
	[tilespmem:$0x1F000] =	vst v63  }
0x205: {  	s24 =	sadd.s32 $0x80, s22;
	s23 =	sadd.s32 $0x10000, s21  }
0x206: {  	[hbm4b:s24+s3] =	stream.linear.scatter [tilespmem:s23], [sflag:$0x3], $0x400, $0x38;
	[tilespmem:$0x1F000] =	vst v63  }
0x207: {  	s23 =	sadd.s32 $0x10800, s21;
	s24 =	sadd.s32 $0x100, s22  }
0x208: {  	[hbm4b:s24+s3] =	stream.linear.scatter [tilespmem:s23], [sflag:$0x3], $0x400, $0x38;
	[tilespmem:$0x1F000] =	vst v63  }
0x209: {  	s23 =	sadd.s32 $0x11000, s21;
	s24 =	sadd.s32 $0x180, s22  }
0x20a: {  	[hbm4b:s24+s3] =	stream.linear.scatter [tilespmem:s23], [sflag:$0x3], $0x400, $0x38;
	[tilespmem:$0x1F000] =	vst v63  }
0x20b: {  	s23 =	sadd.s32 $0x11800, s21;
	s24 =	sadd.s32 $0x200, s22  }
0x20c: {  	[hbm4b:s24+s3] =	stream.linear.scatter [tilespmem:s23], [sflag:$0x3], $0x400, $0x38;
	[tilespmem:$0x1F000] =	vst v63  }
0x20d: {  	s23 =	sadd.s32 $0x12000, s21;
	s24 =	sadd.s32 $0x280, s22  }
0x20e: {  	[hbm4b:s24+s3] =	stream.linear.scatter [tilespmem:s23], [sflag:$0x3], $0x400, $0x38;
	[tilespmem:$0x1F000] =	vst v63  }
0x20f: {  	s23 =	sadd.s32 $0x12800, s21;
	s24 =	sadd.s32 $0x300, s22  }
0x210: {  	[hbm4b:s24+s3] =	stream.linear.scatter [tilespmem:s23], [sflag:$0x3], $0x400, $0x38;
	[tilespmem:$0x1F000] =	vst v63  }
0x211: {  	s23 =	sadd.s32 $0x13000, s21;
	s24 =	sadd.s32 $0x380, s22  }
0x212: {  	[hbm4b:s24+s3] =	stream.linear.scatter [tilespmem:s23], [sflag:$0x3], $0x400, $0x38;
	[tilespmem:$0x1F000] =	vst v63  }
0x213: {  	s23 =	sadd.s32 $0x13800, s21;
	s24 =	sadd.s32 $0x400, s22  }
0x214: {  	[hbm4b:s24+s3] =	stream.linear.scatter [tilespmem:s23], [sflag:$0x3], $0x400, $0x38;
	[tilespmem:$0x1F000] =	vst v63  }
0x215: {  	s23 =	sadd.s32 $0x14000, s21;
	s24 =	sadd.s32 $0x480, s22  }
0x216: {  	[hbm4b:s24+s3] =	stream.linear.scatter [tilespmem:s23], [sflag:$0x3], $0x400, $0x38;
	[tilespmem:$0x1F000] =	vst v63  }
0x217: {  	s23 =	sadd.s32 $0x14800, s21;
	s24 =	sadd.s32 $0x500, s22  }
0x218: {  	[hbm4b:s24+s3] =	stream.linear.scatter [tilespmem:s23], [sflag:$0x3], $0x400, $0x38;
	[tilespmem:$0x1F000] =	vst v63  }
0x219: {  	s23 =	sadd.s32 $0x15000, s21;
	s24 =	sadd.s32 $0x580, s22  }
0x21a: {  	[hbm4b:s24+s3] =	stream.linear.scatter [tilespmem:s23], [sflag:$0x3], $0x400, $0x38;
	[tilespmem:$0x1F000] =	vst v63  }
0x21b: {  	s23 =	sadd.s32 $0x15800, s21;
	s24 =	sadd.s32 $0x600, s22  }
0x21c: {  	[hbm4b:s24+s3] =	stream.linear.scatter [tilespmem:s23], [sflag:$0x3], $0x400, $0x38;
	[tilespmem:$0x1F000] =	vst v63  }
0x21d: {  	s23 =	sadd.s32 $0x16000, s21;
	s24 =	sadd.s32 $0x680, s22  }
0x21e: {  	[hbm4b:s24+s3] =	stream.linear.scatter [tilespmem:s23], [sflag:$0x3], $0x400, $0x38;
	[tilespmem:$0x1F000] =	vst v63  }
0x21f: {  	s23 =	sadd.s32 $0x16800, s21;
	s24 =	sadd.s32 $0x700, s22  }
0x220: {  	[hbm4b:s24+s3] =	stream.linear.scatter [tilespmem:s23], [sflag:$0x3], $0x400, $0x38;
	[tilespmem:$0x1F000] =	vst v63  }
0x221: {  	s22 =	sadd.s32 $0x780, s22;
	s23 =	sadd.s32 $0x17000, s21;
	s24 =	sadd.s32 $0x4000, s19  }
0x222: {  	[hbm4b:s22+s3] =	stream.linear.scatter [tilespmem:s23], [sflag:$0x3], $0x400, $0x38;
	[tilespmem:$0x1F000] =	vst v63  }
0x223: {  	s22 =	sshrl.u32 s24, $0x3  }
0x224: {  	s23 =	sadd.s32 $0xFC00, s21;
	s24 =	sadd.s32 $0x10400, s21;
	s22 =	sadd.s32 s1, s22  }
0x225: {  	[hbm4b:s22+s3] =	stream.linear.scatter [tilespmem:s23], [sflag:$0x3], $0x400, $0x38;
	[tilespmem:$0x1F000] =	vst v63  }
0x226: {  	s25 =	sadd.s32 $0x10C00, s21;
	s26 =	sadd.s32 $0x100, s22;
	s23 =	sadd.s32 $0x80, s22  }
0x227: {  	[hbm4b:s23+s3] =	stream.linear.scatter [tilespmem:s24], [sflag:$0x3], $0x400, $0x38;
	[tilespmem:$0x1F000] =	vst v63  }
0x228: {  	s23 =	sadd.s32 $0x11400, s21;
	s24 =	sadd.s32 $0x180, s22  }
0x229: {  	[hbm4b:s26+s3] =	stream.linear.scatter [tilespmem:s25], [sflag:$0x3], $0x400, $0x38;
	[tilespmem:$0x1F000] =	vst v63  }
0x22a: {  	s25 =	sadd.s32 $0x11C00, s21;
	s26 =	sadd.s32 $0x200, s22  }
0x22b: {  	[hbm4b:s24+s3] =	stream.linear.scatter [tilespmem:s23], [sflag:$0x3], $0x400, $0x38;
	[tilespmem:$0x1F000] =	vst v63  }
0x22c: {  	s23 =	sadd.s32 $0x12400, s21;
	s24 =	sadd.s32 $0x280, s22  }
0x22d: {  	[hbm4b:s26+s3] =	stream.linear.scatter [tilespmem:s25], [sflag:$0x3], $0x400, $0x38;
	[tilespmem:$0x1F000] =	vst v63  }
0x22e: {  	s25 =	sadd.s32 $0x12C00, s21;
	s26 =	sadd.s32 $0x300, s22  }
0x22f: {  	[hbm4b:s24+s3] =	stream.linear.scatter [tilespmem:s23], [sflag:$0x3], $0x400, $0x38;
	[tilespmem:$0x1F000] =	vst v63  }
0x230: {  	s23 =	sadd.s32 $0x13400, s21;
	s24 =	sadd.s32 $0x380, s22  }
0x231: {  	[hbm4b:s26+s3] =	stream.linear.scatter [tilespmem:s25], [sflag:$0x3], $0x400, $0x38;
	[tilespmem:$0x1F000] =	vst v63  }
0x232: {  	s25 =	sadd.s32 $0x13C00, s21;
	s26 =	sadd.s32 $0x400, s22  }
0x233: {  	[hbm4b:s24+s3] =	stream.linear.scatter [tilespmem:s23], [sflag:$0x3], $0x400, $0x38;
	[tilespmem:$0x1F000] =	vst v63  }
0x234: {  	s23 =	sadd.s32 $0x14400, s21;
	s24 =	sadd.s32 $0x480, s22  }
0x235: {  	[hbm4b:s26+s3] =	stream.linear.scatter [tilespmem:s25], [sflag:$0x3], $0x400, $0x38;
	[tilespmem:$0x1F000] =	vst v63  }
0x236: {  	s25 =	sadd.s32 $0x14C00, s21;
	s26 =	sadd.s32 $0x500, s22  }
0x237: {  	[hbm4b:s24+s3] =	stream.linear.scatter [tilespmem:s23], [sflag:$0x3], $0x400, $0x38;
	[tilespmem:$0x1F000] =	vst v63  }
0x238: {  	s23 =	sadd.s32 $0x15400, s21;
	s24 =	sadd.s32 $0x580, s22  }
0x239: {  	[hbm4b:s26+s3] =	stream.linear.scatter [tilespmem:s25], [sflag:$0x3], $0x400, $0x38;
	[tilespmem:$0x1F000] =	vst v63  }
0x23a: {  	s25 =	sadd.s32 $0x15C00, s21;
	s26 =	sadd.s32 $0x600, s22  }
0x23b: {  	[hbm4b:s24+s3] =	stream.linear.scatter [tilespmem:s23], [sflag:$0x3], $0x400, $0x38;
	[tilespmem:$0x1F000] =	vst v63  }
0x23c: {  	s23 =	sadd.s32 $0x16400, s21;
	s24 =	sadd.s32 $0x680, s22  }
0x23d: {  	[hbm4b:s26+s3] =	stream.linear.scatter [tilespmem:s25], [sflag:$0x3], $0x400, $0x38;
	[tilespmem:$0x1F000] =	vst v63  }
.Ltmp4:
0x23e: {  	_ = 	snop;
	(pc) =	sbr.rel @p0 .LBB2_10-.Ltmp4, $4  }
0x23f: {  	s19 =	sadd.s32 $0xFFC00000, s19;
	s25 =	sadd.s32 $0x16C00, s21;
	s26 =	sadd.s32 $0x700, s22  }
0x240: {  	[hbm4b:s24+s3] =	stream.linear.scatter [tilespmem:s23], [sflag:$0x3], $0x400, $0x38;
	[tilespmem:$0x1F000] =	vst v63  }
0x241: {  	s22 =	sadd.s32 $0x780, s22;
	s23 =	sadd.s32 $0x17400, s21;
	s24 =	smov.u32 s20  }
0x242: {  	[hbm4b:s26+s3] =	stream.linear.scatter [tilespmem:s25], [sflag:$0x3], $0x400, $0x38;
	[tilespmem:$0x1F000] =	vst v63  }
0x243: {  	[hbm4b:s22+s3] =	stream.linear.scatter [tilespmem:s23], [sflag:$0x3], $0x400, $0x38;
	[tilespmem:$0x1F000] =	vst v63  }
0x244: {  	_ =	swait.ge [sflag:s16], $0x4000  }
0x245: {  	[sflag:s16] =	ssyncset.done $0x0  }
0x246: {  	[sflag:s16] =	ssyncadd.s32 $0xFFFFC000  }
0x247: {  	_ =	swait.ge [sflag:s16], $0x4000  }
0x248: {  	[sflag:s16] =	ssyncset.done $0x0  }
0x249: {  	[sflag:s16] =	ssyncadd.s32 $0xFFFFC000  }
0x24a: {  	_ =	swait.ge [sflag:s16], $0x4000  }
0x24b: {  	[sflag:s16] =	ssyncset.done $0x0  }
0x24c: {  	[sflag:s16] =	ssyncadd.s32 $0xFFFFC000  }
0x24d: {  	_ =	swait.ge [sflag:s16], $0x4000  }
0x24e: {  	[sflag:s16] =	ssyncset.done $0x0  }
0x24f: {  	[sflag:s16] =	ssyncadd.s32 $0xFFFFC000  }
0x250: {  	_ =	swait.ge [sflag:s16], $0x4000  }
0x251: {  	[sflag:s16] =	ssyncset.done $0x0  }
0x252: {  	[sflag:s16] =	ssyncadd.s32 $0xFFFFC000  }
0x253: {  	_ =	swait.ge [sflag:s16], $0x4000  }
0x254: {  	[sflag:s16] =	ssyncset.done $0x0  }
0x255: {  	[sflag:s16] =	ssyncadd.s32 $0xFFFFC000  }
0x256: {  	_ =	swait.ge [sflag:s16], $0x4000  }
0x257: {  	[sflag:s16] =	ssyncset.done $0x0  }
0x258: {  	[sflag:s16] =	ssyncadd.s32 $0xFFFFC000  }
0x259: {  	_ =	swait.ge [sflag:s16], $0x4000  }
0x25a: {  	[sflag:s16] =	ssyncset.done $0x0  }
0x25b: {  	[sflag:s16] =	ssyncadd.s32 $0xFFFFC000  }
0x25c: {  	_ =	swait.ge [sflag:s16], $0x4000  }
0x25d: {  	[sflag:s16] =	ssyncset.done $0x0  }
0x25e: {  	[sflag:s16] =	ssyncadd.s32 $0xFFFFC000  }
0x25f: {  	_ =	swait.ge [sflag:s16], $0x4000  }
0x260: {  	[sflag:s16] =	ssyncset.done $0x0  }
0x261: {  	[sflag:s16] =	ssyncadd.s32 $0xFFFFC000  }
0x262: {  	_ =	swait.ge [sflag:s16], $0x4000  }
0x263: {  	[sflag:s16] =	ssyncset.done $0x0  }
0x264: {  	[sflag:s16] =	ssyncadd.s32 $0xFFFFC000  }
0x265: {  	_ =	swait.ge [sflag:s16], $0x4000  }
0x266: {  	[sflag:s16] =	ssyncset.done $0x0  }
0x267: {  	[sflag:s16] =	ssyncadd.s32 $0xFFFFC000  }
0x268: {  	_ =	swait.ge [sflag:s16], $0x4000  }
0x269: {  	[sflag:s16] =	ssyncset.done $0x0  }
0x26a: {  	[sflag:s16] =	ssyncadd.s32 $0xFFFFC000  }
0x26b: {  	_ =	swait.ge [sflag:s16], $0x4000  }
0x26c: {  	[sflag:s16] =	ssyncset.done $0x0  }
0x26d: {  	[sflag:s16] =	ssyncadd.s32 $0xFFFFC000  }
0x26e: {  	_ =	swait.ge [sflag:s16], $0x4000  }
0x26f: {  	[sflag:s16] =	ssyncset.done $0x0  }
0x270: {  	[sflag:s16] =	ssyncadd.s32 $0xFFFFC000  }
0x271: {  	_ =	swait.ge [sflag:s16], $0x4000  }
0x272: {  	[sflag:s16] =	ssyncset.done $0x0  }
0x273: {  	[sflag:s16] =	ssyncadd.s32 $0xFFFFC000  }
0x274: {  	_ =	swait.ge [sflag:s16], $0x4000  }
0x275: {  	[sflag:s16] =	ssyncset.done $0x0  }
0x276: {  	[sflag:s16] =	ssyncadd.s32 $0xFFFFC000  }
0x277: {  	_ =	swait.ge [sflag:s16], $0x4000  }
0x278: {  	[sflag:s16] =	ssyncset.done $0x0  }
0x279: {  	[sflag:s16] =	ssyncadd.s32 $0xFFFFC000  }
0x27a: {  	_ =	swait.ge [sflag:s16], $0x4000  }
0x27b: {  	[sflag:s16] =	ssyncset.done $0x0  }
0x27c: {  	[sflag:s16] =	ssyncadd.s32 $0xFFFFC000  }
0x27d: {  	_ =	swait.ge [sflag:s16], $0x4000  }
0x27e: {  	[sflag:s16] =	ssyncset.done $0x0  }
0x27f: {  	[sflag:s16] =	ssyncadd.s32 $0xFFFFC000  }
0x280: {  	_ =	swait.ge [sflag:s16], $0x4000  }
0x281: {  	[sflag:s16] =	ssyncset.done $0x0  }
0x282: {  	[sflag:s16] =	ssyncadd.s32 $0xFFFFC000  }
0x283: {  	_ =	swait.ge [sflag:s16], $0x4000  }
0x284: {  	[sflag:s16] =	ssyncset.done $0x0  }
0x285: {  	[sflag:s16] =	ssyncadd.s32 $0xFFFFC000  }
0x286: {  	_ =	swait.ge [sflag:s16], $0x4000  }
0x287: {  	[sflag:s16] =	ssyncset.done $0x0  }
0x288: {  	[sflag:s16] =	ssyncadd.s32 $0xFFFFC000  }
0x289: {  	_ =	swait.ge [sflag:s16], $0x4000  }
0x28a: {  	[sflag:s16] =	ssyncset.done $0x0  }
0x28b: {  	[sflag:s16] =	ssyncadd.s32 $0xFFFFC000  }
0x28c: {  	_ =	swait.ge [sflag:s16], $0x4000  }
0x28d: {  	[sflag:s16] =	ssyncset.done $0x0  }
0x28e: {  	[sflag:s16] =	ssyncadd.s32 $0xFFFFC000  }
0x28f: {  	_ =	swait.ge [sflag:s16], $0x4000  }
0x290: {  	[sflag:s16] =	ssyncset.done $0x0  }
0x291: {  	[sflag:s16] =	ssyncadd.s32 $0xFFFFC000  }
0x292: {  	_ =	swait.ge [sflag:s16], $0x4000  }
0x293: {  	[sflag:s16] =	ssyncset.done $0x0  }
0x294: {  	[sflag:s16] =	ssyncadd.s32 $0xFFFFC000  }
0x295: {  	_ =	swait.ge [sflag:s16], $0x4000  }
0x296: {  	[sflag:s16] =	ssyncset.done $0x0  }
0x297: {  	[sflag:s16] =	ssyncadd.s32 $0xFFFFC000  }
0x298: {  	_ =	swait.ge [sflag:s16], $0x4000  }
0x299: {  	[sflag:s16] =	ssyncset.done $0x0  }
0x29a: {  	[sflag:s16] =	ssyncadd.s32 $0xFFFFC000  }
0x29b: {  	_ =	swait.ge [sflag:s16], $0x4000  }
0x29c: {  	[sflag:s16] =	ssyncset.done $0x0  }
0x29d: {  	[sflag:s16] =	ssyncadd.s32 $0xFFFFC000  }
0x29e: {  	_ =	swait.ge [sflag:s16], $0x4000  }
0x29f: {  	[sflag:s16] =	ssyncset.done $0x0  }
0x2a0: {  	[sflag:s16] =	ssyncadd.s32 $0xFFFFC000  }
0x2a1: {  	_ =	swait.ge [sflag:s16], $0x4000  }
0x2a2: {  	[sflag:s16] =	ssyncset.done $0x0  }
0x2a3: {  	[sflag:s16] =	ssyncadd.s32 $0xFFFFC000  }
0x2a4: {  	_ =	swait.ge [sflag:s15], $0x800  }
0x2a5: {  	[sflag:s15] =	ssyncset.done $0x0  }
0x2a6: {  	[sflag:s15] =	ssyncadd.s32 $0xFFFFF800  }
0x2a7: {  	_ =	swait.ge [sflag:s15], $0x800  }
0x2a8: {  	[sflag:s15] =	ssyncset.done $0x0  }
0x2a9: {  	[sflag:s15] =	ssyncadd.s32 $0xFFFFF800  }
0x2aa: {  	_ =	swait.ge [sflag:s15], $0x800  }
0x2ab: {  	[sflag:s15] =	ssyncset.done $0x0  }
0x2ac: {  	[sflag:s15] =	ssyncadd.s32 $0xFFFFF800  }
0x2ad: {  	_ =	swait.ge [sflag:s15], $0x800  }
0x2ae: {  	[sflag:s15] =	ssyncset.done $0x0  }
0x2af: {  	[sflag:s15] =	ssyncadd.s32 $0xFFFFF800  }
0x2b0: {  	_ =	swait.ge [sflag:s15], $0x800  }
0x2b1: {  	[sflag:s15] =	ssyncset.done $0x0  }
0x2b2: {  	[sflag:s15] =	ssyncadd.s32 $0xFFFFF800  }
0x2b3: {  	_ =	swait.ge [sflag:s15], $0x800  }
0x2b4: {  	[sflag:s15] =	ssyncset.done $0x0  }
0x2b5: {  	[sflag:s15] =	ssyncadd.s32 $0xFFFFF800  }
0x2b6: {  	_ =	swait.ge [sflag:s15], $0x800  }
0x2b7: {  	[sflag:s15] =	ssyncset.done $0x0  }
0x2b8: {  	[sflag:s15] =	ssyncadd.s32 $0xFFFFF800  }
0x2b9: {  	_ =	swait.ge [sflag:s15], $0x800  }
0x2ba: {  	[sflag:s15] =	ssyncset.done $0x0  }
0x2bb: {  	[sflag:s15] =	ssyncadd.s32 $0xFFFFF800  }
0x2bc: {  	_ =	swait.ge [sflag:s15], $0x800  }
0x2bd: {  	[sflag:s15] =	ssyncset.done $0x0  }
0x2be: {  	[sflag:s15] =	ssyncadd.s32 $0xFFFFF800  }
0x2bf: {  	_ =	swait.ge [sflag:s15], $0x800  }
0x2c0: {  	[sflag:s15] =	ssyncset.done $0x0  }
0x2c1: {  	[sflag:s15] =	ssyncadd.s32 $0xFFFFF800  }
0x2c2: {  	_ =	swait.ge [sflag:s15], $0x800  }
0x2c3: {  	[sflag:s15] =	ssyncset.done $0x0  }
0x2c4: {  	[sflag:s15] =	ssyncadd.s32 $0xFFFFF800  }
0x2c5: {  	_ =	swait.ge [sflag:s15], $0x800  }
0x2c6: {  	[sflag:s15] =	ssyncset.done $0x0  }
0x2c7: {  	[sflag:s15] =	ssyncadd.s32 $0xFFFFF800  }
0x2c8: {  	_ =	swait.ge [sflag:s15], $0x800  }
0x2c9: {  	[sflag:s15] =	ssyncset.done $0x0  }
0x2ca: {  	[sflag:s15] =	ssyncadd.s32 $0xFFFFF800  }
0x2cb: {  	_ =	swait.ge [sflag:s15], $0x800  }
0x2cc: {  	[sflag:s15] =	ssyncset.done $0x0  }
0x2cd: {  	[sflag:s15] =	ssyncadd.s32 $0xFFFFF800  }
0x2ce: {  	_ =	swait.ge [sflag:s15], $0x800  }
0x2cf: {  	[sflag:s15] =	ssyncset.done $0x0  }
0x2d0: {  	[sflag:s15] =	ssyncadd.s32 $0xFFFFF800  }
0x2d1: {  	_ =	swait.ge [sflag:s15], $0x800  }
0x2d2: {  	[sflag:s15] =	ssyncset.done $0x0  }
0x2d3: {  	[sflag:s15] =	ssyncadd.s32 $0xFFFFF800  }
0x2d4: {  	_ =	swait.ge [sflag:s15], $0x800  }
0x2d5: {  	[sflag:s15] =	ssyncset.done $0x0  }
0x2d6: {  	[sflag:s15] =	ssyncadd.s32 $0xFFFFF800  }
0x2d7: {  	_ =	swait.ge [sflag:s15], $0x800  }
0x2d8: {  	[sflag:s15] =	ssyncset.done $0x0  }
0x2d9: {  	[sflag:s15] =	ssyncadd.s32 $0xFFFFF800  }
0x2da: {  	_ =	swait.ge [sflag:s15], $0x800  }
0x2db: {  	[sflag:s15] =	ssyncset.done $0x0  }
0x2dc: {  	[sflag:s15] =	ssyncadd.s32 $0xFFFFF800  }
0x2dd: {  	_ =	swait.ge [sflag:s15], $0x800  }
0x2de: {  	[sflag:s15] =	ssyncset.done $0x0  }
0x2df: {  	[sflag:s15] =	ssyncadd.s32 $0xFFFFF800  }
0x2e0: {  	_ =	swait.ge [sflag:s15], $0x800  }
0x2e1: {  	[sflag:s15] =	ssyncset.done $0x0  }
0x2e2: {  	[sflag:s15] =	ssyncadd.s32 $0xFFFFF800  }
0x2e3: {  	_ =	swait.ge [sflag:s15], $0x800  }
0x2e4: {  	[sflag:s15] =	ssyncset.done $0x0  }
0x2e5: {  	[sflag:s15] =	ssyncadd.s32 $0xFFFFF800  }
0x2e6: {  	_ =	swait.ge [sflag:s15], $0x800  }
0x2e7: {  	[sflag:s15] =	ssyncset.done $0x0  }
0x2e8: {  	[sflag:s15] =	ssyncadd.s32 $0xFFFFF800  }
0x2e9: {  	_ =	swait.ge [sflag:s15], $0x800  }
0x2ea: {  	[sflag:s15] =	ssyncset.done $0x0  }
0x2eb: {  	[sflag:s15] =	ssyncadd.s32 $0xFFFFF800  }
0x2ec: {  	_ =	swait.ge [sflag:s15], $0x800  }
0x2ed: {  	[sflag:s15] =	ssyncset.done $0x0  }
0x2ee: {  	[sflag:s15] =	ssyncadd.s32 $0xFFFFF800  }
0x2ef: {  	_ =	swait.ge [sflag:s15], $0x800  }
0x2f0: {  	[sflag:s15] =	ssyncset.done $0x0  }
0x2f1: {  	[sflag:s15] =	ssyncadd.s32 $0xFFFFF800  }
0x2f2: {  	_ =	swait.ge [sflag:s15], $0x800  }
0x2f3: {  	[sflag:s15] =	ssyncset.done $0x0  }
0x2f4: {  	[sflag:s15] =	ssyncadd.s32 $0xFFFFF800  }
0x2f5: {  	_ =	swait.ge [sflag:s15], $0x800  }
0x2f6: {  	[sflag:s15] =	ssyncset.done $0x0  }
0x2f7: {  	[sflag:s15] =	ssyncadd.s32 $0xFFFFF800  }
0x2f8: {  	_ =	swait.ge [sflag:s15], $0x800  }
0x2f9: {  	[sflag:s15] =	ssyncset.done $0x0  }
0x2fa: {  	[sflag:s15] =	ssyncadd.s32 $0xFFFFF800  }
0x2fb: {  	_ =	swait.ge [sflag:s15], $0x800  }
0x2fc: {  	[sflag:s15] =	ssyncset.done $0x0  }
0x2fd: {  	[sflag:s15] =	ssyncadd.s32 $0xFFFFF800  }
0x2fe: {  	_ =	swait.ge [sflag:s15], $0x800  }
0x2ff: {  	s19 =	simm.s32 $0xF800;
	s20 =	simm.s32 $0x10;
	[sflag:s15] =	ssyncset.done $0x0  }
0x300: {  	s22 =	sadd.s32 $0x0, s10;
	s21 =	simm.s32 $0x10000;
	[sflag:s15] =	ssyncadd.s32 $0xFFFFF800  }
.LBB2_12:
0x301: {  	[tilespmem:s19], [sflag:$0x2] =	stream.strided.gather [hbm4b:s22+s13], $0x800, s14, s13, $0x38;
	[tilespmem:$0x1F000] =	vst v63  }
0x302: {  	s22 =	smov.u32 s20;
	s19 =	smov.u32 s21;
	p0 =	sne.s32 s20, $0x1E0  }
.Ltmp5:
0x303: {  	s20 =	sadd.s32 $0x10, s20;
	(pc) =	sbr.rel @p0 .LBB2_12-.Ltmp5, $2  }
0x304: {  	_ =	sdelay $0x2  }
0x305: {  	s21 =	sadd.s32 $0x800, s21;
	s22 =	sadd.s32 s22, s10  }
0x306: {  	[tilespmem:s19], [sflag:$0x2] =	stream.strided.gather [hbm4b:s22+s13], $0x800, s14, s13, $0x38;
	[tilespmem:$0x1F000] =	vst v63  }
0x307: {  	s21 =	sshrl.u32 s11, $0x3  }
0x308: {  	s20 =	simm.s32 $0x0;
	s19 =	sadd.s32 s1, s21  }
0x309: {  	[hbm4b:s19+s3] =	stream.linear.scatter [tilespmem:s20], [sflag:$0x3], $0x400, $0x38;
	[tilespmem:$0x1F000] =	vst v63  }
0x30a: {  	s22 =	simm.s32 $0x800;
	s21 =	sadd.s32 $0x80, s19  }
0x30b: {  	[hbm4b:s21+s3] =	stream.linear.scatter [tilespmem:s22], [sflag:$0x3], $0x400, $0x38;
	[tilespmem:$0x1F000] =	vst v63  }
0x30c: {  	s23 =	simm.s32 $0x1000;
	s24 =	sadd.s32 $0x100, s19  }
0x30d: {  	[hbm4b:s24+s3] =	stream.linear.scatter [tilespmem:s23], [sflag:$0x3], $0x400, $0x38;
	[tilespmem:$0x1F000] =	vst v63  }
0x30e: {  	s25 =	simm.s32 $0x1800;
	s26 =	sadd.s32 $0x180, s19  }
0x30f: {  	[hbm4b:s26+s3] =	stream.linear.scatter [tilespmem:s25], [sflag:$0x3], $0x400, $0x38;
	[tilespmem:$0x1F000] =	vst v63  }
0x310: {  	s28 =	simm.s32 $0x2000;
	s29 =	sadd.s32 $0x200, s19  }
0x311: {  	[hbm4b:s29+s3] =	stream.linear.scatter [tilespmem:s28], [sflag:$0x3], $0x400, $0x38;
	[tilespmem:$0x1F000] =	vst v63  }
0x312: {  	s30 =	simm.s32 $0x2800;
	s31 =	sadd.s32 $0x280, s19  }
0x313: {  	[hbm4b:s31+s3] =	stream.linear.scatter [tilespmem:s30], [sflag:$0x3], $0x400, $0x38;
	[tilespmem:$0x1F000] =	vst v63  }
0x314: {  	s21 =	simm.s32 $0x3000;
	s22 =	sadd.s32 $0x300, s19  }
0x315: {  	[hbm4b:s22+s3] =	stream.linear.scatter [tilespmem:s21], [sflag:$0x3], $0x400, $0x38;
	[tilespmem:$0x1F000] =	vst v63  }
0x316: {  	s23 =	simm.s32 $0x3800;
	s24 =	sadd.s32 $0x380, s19  }
0x317: {  	[hbm4b:s24+s3] =	stream.linear.scatter [tilespmem:s23], [sflag:$0x3], $0x400, $0x38;
	[tilespmem:$0x1F000] =	vst v63  }
0x318: {  	s25 =	simm.s32 $0x4000;
	s26 =	sadd.s32 $0x400, s19  }
0x319: {  	[hbm4b:s26+s3] =	stream.linear.scatter [tilespmem:s25], [sflag:$0x3], $0x400, $0x38;
	[tilespmem:$0x1F000] =	vst v63  }
0x31a: {  	s28 =	simm.s32 $0x4800;
	s29 =	sadd.s32 $0x480, s19  }
0x31b: {  	[hbm4b:s29+s3] =	stream.linear.scatter [tilespmem:s28], [sflag:$0x3], $0x400, $0x38;
	[tilespmem:$0x1F000] =	vst v63  }
0x31c: {  	s30 =	simm.s32 $0x5000;
	s31 =	sadd.s32 $0x500, s19  }
0x31d: {  	[hbm4b:s31+s3] =	stream.linear.scatter [tilespmem:s30], [sflag:$0x3], $0x400, $0x38;
	[tilespmem:$0x1F000] =	vst v63  }
0x31e: {  	s21 =	simm.s32 $0x5800;
	s22 =	sadd.s32 $0x580, s19  }
0x31f: {  	[hbm4b:s22+s3] =	stream.linear.scatter [tilespmem:s21], [sflag:$0x3], $0x400, $0x38;
	[tilespmem:$0x1F000] =	vst v63  }
0x320: {  	s23 =	simm.s32 $0x6000;
	s24 =	sadd.s32 $0x600, s19  }
0x321: {  	[hbm4b:s24+s3] =	stream.linear.scatter [tilespmem:s23], [sflag:$0x3], $0x400, $0x38;
	[tilespmem:$0x1F000] =	vst v63  }
0x322: {  	s25 =	simm.s32 $0x6800;
	s26 =	sadd.s32 $0x680, s19  }
0x323: {  	[hbm4b:s26+s3] =	stream.linear.scatter [tilespmem:s25], [sflag:$0x3], $0x400, $0x38;
	[tilespmem:$0x1F000] =	vst v63  }
0x324: {  	s28 =	simm.s32 $0x7000;
	s29 =	sadd.s32 $0x700, s19;
	s31 =	sadd.s32 $0x4000, s11  }
0x325: {  	[hbm4b:s29+s3] =	stream.linear.scatter [tilespmem:s28], [sflag:$0x3], $0x400, $0x38;
	[tilespmem:$0x1F000] =	vst v63  }
0x326: {  	s19 =	sadd.s32 $0x780, s19;
	s30 =	simm.s32 $0x7800;
	s21 =	sshrl.u32 s31, $0x3  }
0x327: {  	[hbm4b:s19+s3] =	stream.linear.scatter [tilespmem:s30], [sflag:$0x3], $0x400, $0x38;
	[tilespmem:$0x1F000] =	vst v63  }
0x328: {  	s22 =	simm.s32 $0x400;
	s20 =	sadd.s32 s1, s21  }
0x329: {  	[hbm4b:s20+s3] =	stream.linear.scatter [tilespmem:s22], [sflag:$0x3], $0x400, $0x38;
	[tilespmem:$0x1F000] =	vst v63  }
0x32a: {  	s23 =	simm.s32 $0xC00;
	s24 =	sadd.s32 $0x80, s20  }
0x32b: {  	[hbm4b:s24+s3] =	stream.linear.scatter [tilespmem:s23], [sflag:$0x3], $0x400, $0x38;
	[tilespmem:$0x1F000] =	vst v63  }
0x32c: {  	s25 =	simm.s32 $0x1400;
	s26 =	sadd.s32 $0x100, s20  }
0x32d: {  	[hbm4b:s26+s3] =	stream.linear.scatter [tilespmem:s25], [sflag:$0x3], $0x400, $0x38;
	[tilespmem:$0x1F000] =	vst v63  }
0x32e: {  	s28 =	simm.s32 $0x1C00;
	s29 =	sadd.s32 $0x180, s20  }
0x32f: {  	[hbm4b:s29+s3] =	stream.linear.scatter [tilespmem:s28], [sflag:$0x3], $0x400, $0x38;
	[tilespmem:$0x1F000] =	vst v63  }
0x330: {  	s31 =	sadd.s32 $0x200, s20;
	s30 =	simm.s32 $0x2400  }
0x331: {  	[hbm4b:s31+s3] =	stream.linear.scatter [tilespmem:s30], [sflag:$0x3], $0x400, $0x38;
	[tilespmem:$0x1F000] =	vst v63  }
0x332: {  	s21 =	simm.s32 $0x2C00;
	s22 =	sadd.s32 $0x280, s20  }
0x333: {  	[hbm4b:s22+s3] =	stream.linear.scatter [tilespmem:s21], [sflag:$0x3], $0x400, $0x38;
	[tilespmem:$0x1F000] =	vst v63  }
0x334: {  	s23 =	simm.s32 $0x3400;
	s24 =	sadd.s32 $0x300, s20  }
0x335: {  	[hbm4b:s24+s3] =	stream.linear.scatter [tilespmem:s23], [sflag:$0x3], $0x400, $0x38;
	[tilespmem:$0x1F000] =	vst v63  }
0x336: {  	s25 =	simm.s32 $0x3C00;
	s26 =	sadd.s32 $0x380, s20  }
0x337: {  	[hbm4b:s26+s3] =	stream.linear.scatter [tilespmem:s25], [sflag:$0x3], $0x400, $0x38;
	[tilespmem:$0x1F000] =	vst v63  }
0x338: {  	s28 =	simm.s32 $0x4400;
	s29 =	sadd.s32 $0x400, s20  }
0x339: {  	[hbm4b:s29+s3] =	stream.linear.scatter [tilespmem:s28], [sflag:$0x3], $0x400, $0x38;
	[tilespmem:$0x1F000] =	vst v63  }
0x33a: {  	s30 =	simm.s32 $0x4C00;
	s31 =	sadd.s32 $0x480, s20  }
0x33b: {  	[hbm4b:s31+s3] =	stream.linear.scatter [tilespmem:s30], [sflag:$0x3], $0x400, $0x38;
	[tilespmem:$0x1F000] =	vst v63  }
0x33c: {  	s21 =	simm.s32 $0x5400;
	s22 =	sadd.s32 $0x500, s20  }
0x33d: {  	[hbm4b:s22+s3] =	stream.linear.scatter [tilespmem:s21], [sflag:$0x3], $0x400, $0x38;
	[tilespmem:$0x1F000] =	vst v63  }
0x33e: {  	s19 =	simm.s32 $0x2000;
	s23 =	simm.s32 $0x5C00;
	s24 =	sadd.s32 $0x580, s20  }
0x33f: {  	[hbm4b:s24+s3] =	stream.linear.scatter [tilespmem:s23], [sflag:$0x3], $0x400, $0x38;
	[tilespmem:$0x1F000] =	vst v63  }
0x340: {  	s25 =	simm.s32 $0x6400;
	s26 =	sadd.s32 $0x600, s20;
	s28 =	simm.s32 $0x6C00  }
0x341: {  	[hbm4b:s26+s3] =	stream.linear.scatter [tilespmem:s25], [sflag:$0x3], $0x400, $0x38;
	[tilespmem:$0x1F000] =	vst v63  }
0x342: {  	s29 =	sadd.s32 $0x680, s20;
	s30 =	simm.s32 $0x7400;
	s31 =	sadd.s32 $0x700, s20  }
0x343: {  	[hbm4b:s29+s3] =	stream.linear.scatter [tilespmem:s28], [sflag:$0x3], $0x400, $0x38;
	[tilespmem:$0x1F000] =	vst v63  }
0x344: {  	s21 =	simm.s32 $0x7C00;
	s22 =	sadd.s32 $0x780, s20;
	s20 =	sadd.s32 $0xFFC00000, s11  }
0x345: {  	[hbm4b:s31+s3] =	stream.linear.scatter [tilespmem:s30], [sflag:$0x3], $0x400, $0x38;
	[tilespmem:$0x1F000] =	vst v63  }
.LBB2_14:
0x346: {  	s23 =	sshrl.u32 s20, $0x3  }
0x347: {  	p0 =	sne.s32 s19, $0x1E000;
	s24 =	smov.u32 s19;
	s19 =	sadd.s32 $0x2000, s19  }
0x348: {  	[hbm4b:s22+s3] =	stream.linear.scatter [tilespmem:s21], [sflag:$0x3], $0x400, $0x38;
	[tilespmem:$0x1F000] =	vst v63  }
0x349: {  	s22 =	sadd.s32 s1, s23;
	s21 =	sshra.s32 s24, $0x2  }
0x34a: {  	[hbm4b:s22+s3] =	stream.linear.scatter [tilespmem:s21], [sflag:$0x3], $0x400, $0x38;
	[tilespmem:$0x1F000] =	vst v63  }
0x34b: {  	s23 =	sadd.s32 $0x800, s21;
	s24 =	sadd.s32 $0x80, s22  }
0x34c: {  	[hbm4b:s24+s3] =	stream.linear.scatter [tilespmem:s23], [sflag:$0x3], $0x400, $0x38;
	[tilespmem:$0x1F000] =	vst v63  }
0x34d: {  	s23 =	sadd.s32 $0x1000, s21;
	s24 =	sadd.s32 $0x100, s22  }
0x34e: {  	[hbm4b:s24+s3] =	stream.linear.scatter [tilespmem:s23], [sflag:$0x3], $0x400, $0x38;
	[tilespmem:$0x1F000] =	vst v63  }
0x34f: {  	s23 =	sadd.s32 $0x1800, s21;
	s24 =	sadd.s32 $0x180, s22  }
0x350: {  	[hbm4b:s24+s3] =	stream.linear.scatter [tilespmem:s23], [sflag:$0x3], $0x400, $0x38;
	[tilespmem:$0x1F000] =	vst v63  }
0x351: {  	s23 =	sadd.s32 $0x2000, s21;
	s24 =	sadd.s32 $0x200, s22  }
0x352: {  	[hbm4b:s24+s3] =	stream.linear.scatter [tilespmem:s23], [sflag:$0x3], $0x400, $0x38;
	[tilespmem:$0x1F000] =	vst v63  }
0x353: {  	s23 =	sadd.s32 $0x2800, s21;
	s24 =	sadd.s32 $0x280, s22  }
0x354: {  	[hbm4b:s24+s3] =	stream.linear.scatter [tilespmem:s23], [sflag:$0x3], $0x400, $0x38;
	[tilespmem:$0x1F000] =	vst v63  }
0x355: {  	s23 =	sadd.s32 $0x3000, s21;
	s24 =	sadd.s32 $0x300, s22  }
0x356: {  	[hbm4b:s24+s3] =	stream.linear.scatter [tilespmem:s23], [sflag:$0x3], $0x400, $0x38;
	[tilespmem:$0x1F000] =	vst v63  }
0x357: {  	s23 =	sadd.s32 $0x3800, s21;
	s24 =	sadd.s32 $0x380, s22  }
0x358: {  	[hbm4b:s24+s3] =	stream.linear.scatter [tilespmem:s23], [sflag:$0x3], $0x400, $0x38;
	[tilespmem:$0x1F000] =	vst v63  }
0x359: {  	s23 =	sadd.s32 $0x4000, s21;
	s24 =	sadd.s32 $0x400, s22  }
0x35a: {  	[hbm4b:s24+s3] =	stream.linear.scatter [tilespmem:s23], [sflag:$0x3], $0x400, $0x38;
	[tilespmem:$0x1F000] =	vst v63  }
0x35b: {  	s23 =	sadd.s32 $0x4800, s21;
	s24 =	sadd.s32 $0x480, s22  }
0x35c: {  	[hbm4b:s24+s3] =	stream.linear.scatter [tilespmem:s23], [sflag:$0x3], $0x400, $0x38;
	[tilespmem:$0x1F000] =	vst v63  }
0x35d: {  	s23 =	sadd.s32 $0x5000, s21;
	s24 =	sadd.s32 $0x500, s22  }
0x35e: {  	[hbm4b:s24+s3] =	stream.linear.scatter [tilespmem:s23], [sflag:$0x3], $0x400, $0x38;
	[tilespmem:$0x1F000] =	vst v63  }
0x35f: {  	s23 =	sadd.s32 $0x5800, s21;
	s24 =	sadd.s32 $0x580, s22  }
0x360: {  	[hbm4b:s24+s3] =	stream.linear.scatter [tilespmem:s23], [sflag:$0x3], $0x400, $0x38;
	[tilespmem:$0x1F000] =	vst v63  }
0x361: {  	s23 =	sadd.s32 $0x6000, s21;
	s24 =	sadd.s32 $0x600, s22  }
0x362: {  	[hbm4b:s24+s3] =	stream.linear.scatter [tilespmem:s23], [sflag:$0x3], $0x400, $0x38;
	[tilespmem:$0x1F000] =	vst v63  }
0x363: {  	s23 =	sadd.s32 $0x6800, s21;
	s24 =	sadd.s32 $0x680, s22  }
0x364: {  	[hbm4b:s24+s3] =	stream.linear.scatter [tilespmem:s23], [sflag:$0x3], $0x400, $0x38;
	[tilespmem:$0x1F000] =	vst v63  }
0x365: {  	s23 =	sadd.s32 $0x7000, s21;
	s24 =	sadd.s32 $0x700, s22  }
0x366: {  	[hbm4b:s24+s3] =	stream.linear.scatter [tilespmem:s23], [sflag:$0x3], $0x400, $0x38;
	[tilespmem:$0x1F000] =	vst v63  }
0x367: {  	s22 =	sadd.s32 $0x780, s22;
	s23 =	sadd.s32 $0x7800, s21;
	s24 =	sadd.s32 $0x4000, s20  }
0x368: {  	[hbm4b:s22+s3] =	stream.linear.scatter [tilespmem:s23], [sflag:$0x3], $0x400, $0x38;
	[tilespmem:$0x1F000] =	vst v63  }
0x369: {  	s22 =	sshrl.u32 s24, $0x3  }
0x36a: {  	s23 =	sadd.s32 $0x400, s21;
	s24 =	sadd.s32 $0xC00, s21;
	s22 =	sadd.s32 s1, s22  }
0x36b: {  	[hbm4b:s22+s3] =	stream.linear.scatter [tilespmem:s23], [sflag:$0x3], $0x400, $0x38;
	[tilespmem:$0x1F000] =	vst v63  }
0x36c: {  	s25 =	sadd.s32 $0x1400, s21;
	s26 =	sadd.s32 $0x100, s22;
	s23 =	sadd.s32 $0x80, s22  }
0x36d: {  	[hbm4b:s23+s3] =	stream.linear.scatter [tilespmem:s24], [sflag:$0x3], $0x400, $0x38;
	[tilespmem:$0x1F000] =	vst v63  }
0x36e: {  	s23 =	sadd.s32 $0x1C00, s21;
	s24 =	sadd.s32 $0x180, s22  }
0x36f: {  	[hbm4b:s26+s3] =	stream.linear.scatter [tilespmem:s25], [sflag:$0x3], $0x400, $0x38;
	[tilespmem:$0x1F000] =	vst v63  }
0x370: {  	s25 =	sadd.s32 $0x2400, s21;
	s26 =	sadd.s32 $0x200, s22  }
0x371: {  	[hbm4b:s24+s3] =	stream.linear.scatter [tilespmem:s23], [sflag:$0x3], $0x400, $0x38;
	[tilespmem:$0x1F000] =	vst v63  }
0x372: {  	s23 =	sadd.s32 $0x2C00, s21;
	s24 =	sadd.s32 $0x280, s22  }
0x373: {  	[hbm4b:s26+s3] =	stream.linear.scatter [tilespmem:s25], [sflag:$0x3], $0x400, $0x38;
	[tilespmem:$0x1F000] =	vst v63  }
0x374: {  	s25 =	sadd.s32 $0x3400, s21;
	s26 =	sadd.s32 $0x300, s22  }
0x375: {  	[hbm4b:s24+s3] =	stream.linear.scatter [tilespmem:s23], [sflag:$0x3], $0x400, $0x38;
	[tilespmem:$0x1F000] =	vst v63  }
0x376: {  	s23 =	sadd.s32 $0x3C00, s21;
	s24 =	sadd.s32 $0x380, s22  }
0x377: {  	[hbm4b:s26+s3] =	stream.linear.scatter [tilespmem:s25], [sflag:$0x3], $0x400, $0x38;
	[tilespmem:$0x1F000] =	vst v63  }
0x378: {  	s25 =	sadd.s32 $0x4400, s21;
	s26 =	sadd.s32 $0x400, s22  }
0x379: {  	[hbm4b:s24+s3] =	stream.linear.scatter [tilespmem:s23], [sflag:$0x3], $0x400, $0x38;
	[tilespmem:$0x1F000] =	vst v63  }
0x37a: {  	s23 =	sadd.s32 $0x4C00, s21;
	s24 =	sadd.s32 $0x480, s22  }
0x37b: {  	[hbm4b:s26+s3] =	stream.linear.scatter [tilespmem:s25], [sflag:$0x3], $0x400, $0x38;
	[tilespmem:$0x1F000] =	vst v63  }
0x37c: {  	s25 =	sadd.s32 $0x5400, s21;
	s26 =	sadd.s32 $0x500, s22  }
0x37d: {  	[hbm4b:s24+s3] =	stream.linear.scatter [tilespmem:s23], [sflag:$0x3], $0x400, $0x38;
	[tilespmem:$0x1F000] =	vst v63  }
0x37e: {  	s23 =	sadd.s32 $0x5C00, s21;
	s24 =	sadd.s32 $0x580, s22  }
0x37f: {  	[hbm4b:s26+s3] =	stream.linear.scatter [tilespmem:s25], [sflag:$0x3], $0x400, $0x38;
	[tilespmem:$0x1F000] =	vst v63  }
0x380: {  	s25 =	sadd.s32 $0x6400, s21;
	s26 =	sadd.s32 $0x600, s22  }
0x381: {  	[hbm4b:s24+s3] =	stream.linear.scatter [tilespmem:s23], [sflag:$0x3], $0x400, $0x38;
	[tilespmem:$0x1F000] =	vst v63  }
0x382: {  	s23 =	sadd.s32 $0x6C00, s21;
	s24 =	sadd.s32 $0x680, s22  }
0x383: {  	[hbm4b:s26+s3] =	stream.linear.scatter [tilespmem:s25], [sflag:$0x3], $0x400, $0x38;
	[tilespmem:$0x1F000] =	vst v63  }
.Ltmp6:
0x384: {  	_ = 	snop;
	(pc) =	sbr.rel @p0 .LBB2_14-.Ltmp6, $4  }
0x385: {  	s25 =	sadd.s32 $0x7400, s21;
	s26 =	sadd.s32 $0x700, s22  }
0x386: {  	[hbm4b:s24+s3] =	stream.linear.scatter [tilespmem:s23], [sflag:$0x3], $0x400, $0x38;
	[tilespmem:$0x1F000] =	vst v63  }
0x387: {  	s20 =	sadd.s32 $0xFFC00000, s20;
	s21 =	sadd.s32 $0x7C00, s21;
	s22 =	sadd.s32 $0x780, s22  }
0x388: {  	[hbm4b:s26+s3] =	stream.linear.scatter [tilespmem:s25], [sflag:$0x3], $0x400, $0x38;
	[tilespmem:$0x1F000] =	vst v63  }
0x389: {  	[hbm4b:s22+s3] =	stream.linear.scatter [tilespmem:s21], [sflag:$0x3], $0x400, $0x38;
	[tilespmem:$0x1F000] =	vst v63  }
0x38a: {  	_ =	swait.ge [sflag:s16], $0x4000  }
0x38b: {  	[sflag:s16] =	ssyncset.done $0x0  }
0x38c: {  	[sflag:s16] =	ssyncadd.s32 $0xFFFFC000  }
0x38d: {  	_ =	swait.ge [sflag:s16], $0x4000  }
0x38e: {  	[sflag:s16] =	ssyncset.done $0x0  }
0x38f: {  	[sflag:s16] =	ssyncadd.s32 $0xFFFFC000  }
0x390: {  	_ =	swait.ge [sflag:s16], $0x4000  }
0x391: {  	[sflag:s16] =	ssyncset.done $0x0  }
0x392: {  	[sflag:s16] =	ssyncadd.s32 $0xFFFFC000  }
0x393: {  	_ =	swait.ge [sflag:s16], $0x4000  }
0x394: {  	[sflag:s16] =	ssyncset.done $0x0  }
0x395: {  	[sflag:s16] =	ssyncadd.s32 $0xFFFFC000  }
0x396: {  	_ =	swait.ge [sflag:s16], $0x4000  }
0x397: {  	[sflag:s16] =	ssyncset.done $0x0  }
0x398: {  	[sflag:s16] =	ssyncadd.s32 $0xFFFFC000  }
0x399: {  	_ =	swait.ge [sflag:s16], $0x4000  }
0x39a: {  	[sflag:s16] =	ssyncset.done $0x0  }
0x39b: {  	[sflag:s16] =	ssyncadd.s32 $0xFFFFC000  }
0x39c: {  	_ =	swait.ge [sflag:s16], $0x4000  }
0x39d: {  	[sflag:s16] =	ssyncset.done $0x0  }
0x39e: {  	[sflag:s16] =	ssyncadd.s32 $0xFFFFC000  }
0x39f: {  	_ =	swait.ge [sflag:s16], $0x4000  }
0x3a0: {  	[sflag:s16] =	ssyncset.done $0x0  }
0x3a1: {  	[sflag:s16] =	ssyncadd.s32 $0xFFFFC000  }
0x3a2: {  	_ =	swait.ge [sflag:s16], $0x4000  }
0x3a3: {  	[sflag:s16] =	ssyncset.done $0x0  }
0x3a4: {  	[sflag:s16] =	ssyncadd.s32 $0xFFFFC000  }
0x3a5: {  	_ =	swait.ge [sflag:s16], $0x4000  }
0x3a6: {  	[sflag:s16] =	ssyncset.done $0x0  }
0x3a7: {  	[sflag:s16] =	ssyncadd.s32 $0xFFFFC000  }
0x3a8: {  	_ =	swait.ge [sflag:s16], $0x4000  }
0x3a9: {  	[sflag:s16] =	ssyncset.done $0x0  }
0x3aa: {  	[sflag:s16] =	ssyncadd.s32 $0xFFFFC000  }
0x3ab: {  	_ =	swait.ge [sflag:s16], $0x4000  }
0x3ac: {  	[sflag:s16] =	ssyncset.done $0x0  }
0x3ad: {  	[sflag:s16] =	ssyncadd.s32 $0xFFFFC000  }
0x3ae: {  	_ =	swait.ge [sflag:s16], $0x4000  }
0x3af: {  	[sflag:s16] =	ssyncset.done $0x0  }
0x3b0: {  	[sflag:s16] =	ssyncadd.s32 $0xFFFFC000  }
0x3b1: {  	_ =	swait.ge [sflag:s16], $0x4000  }
0x3b2: {  	[sflag:s16] =	ssyncset.done $0x0  }
0x3b3: {  	[sflag:s16] =	ssyncadd.s32 $0xFFFFC000  }
0x3b4: {  	_ =	swait.ge [sflag:s16], $0x4000  }
0x3b5: {  	[sflag:s16] =	ssyncset.done $0x0  }
0x3b6: {  	[sflag:s16] =	ssyncadd.s32 $0xFFFFC000  }
0x3b7: {  	_ =	swait.ge [sflag:s16], $0x4000  }
0x3b8: {  	[sflag:s16] =	ssyncset.done $0x0  }
0x3b9: {  	[sflag:s16] =	ssyncadd.s32 $0xFFFFC000  }
0x3ba: {  	_ =	swait.ge [sflag:s16], $0x4000  }
0x3bb: {  	[sflag:s16] =	ssyncset.done $0x0  }
0x3bc: {  	[sflag:s16] =	ssyncadd.s32 $0xFFFFC000  }
0x3bd: {  	_ =	swait.ge [sflag:s16], $0x4000  }
0x3be: {  	[sflag:s16] =	ssyncset.done $0x0  }
0x3bf: {  	[sflag:s16] =	ssyncadd.s32 $0xFFFFC000  }
0x3c0: {  	_ =	swait.ge [sflag:s16], $0x4000  }
0x3c1: {  	[sflag:s16] =	ssyncset.done $0x0  }
0x3c2: {  	[sflag:s16] =	ssyncadd.s32 $0xFFFFC000  }
0x3c3: {  	_ =	swait.ge [sflag:s16], $0x4000  }
0x3c4: {  	[sflag:s16] =	ssyncset.done $0x0  }
0x3c5: {  	[sflag:s16] =	ssyncadd.s32 $0xFFFFC000  }
0x3c6: {  	_ =	swait.ge [sflag:s16], $0x4000  }
0x3c7: {  	[sflag:s16] =	ssyncset.done $0x0  }
0x3c8: {  	[sflag:s16] =	ssyncadd.s32 $0xFFFFC000  }
0x3c9: {  	_ =	swait.ge [sflag:s16], $0x4000  }
0x3ca: {  	[sflag:s16] =	ssyncset.done $0x0  }
0x3cb: {  	[sflag:s16] =	ssyncadd.s32 $0xFFFFC000  }
0x3cc: {  	_ =	swait.ge [sflag:s16], $0x4000  }
0x3cd: {  	[sflag:s16] =	ssyncset.done $0x0  }
0x3ce: {  	[sflag:s16] =	ssyncadd.s32 $0xFFFFC000  }
0x3cf: {  	_ =	swait.ge [sflag:s16], $0x4000  }
0x3d0: {  	[sflag:s16] =	ssyncset.done $0x0  }
0x3d1: {  	[sflag:s16] =	ssyncadd.s32 $0xFFFFC000  }
0x3d2: {  	_ =	swait.ge [sflag:s16], $0x4000  }
0x3d3: {  	[sflag:s16] =	ssyncset.done $0x0  }
0x3d4: {  	[sflag:s16] =	ssyncadd.s32 $0xFFFFC000  }
0x3d5: {  	_ =	swait.ge [sflag:s16], $0x4000  }
0x3d6: {  	[sflag:s16] =	ssyncset.done $0x0  }
0x3d7: {  	[sflag:s16] =	ssyncadd.s32 $0xFFFFC000  }
0x3d8: {  	_ =	swait.ge [sflag:s16], $0x4000  }
0x3d9: {  	[sflag:s16] =	ssyncset.done $0x0  }
0x3da: {  	[sflag:s16] =	ssyncadd.s32 $0xFFFFC000  }
0x3db: {  	_ =	swait.ge [sflag:s16], $0x4000  }
0x3dc: {  	[sflag:s16] =	ssyncset.done $0x0  }
0x3dd: {  	[sflag:s16] =	ssyncadd.s32 $0xFFFFC000  }
0x3de: {  	_ =	swait.ge [sflag:s16], $0x4000  }
0x3df: {  	[sflag:s16] =	ssyncset.done $0x0  }
0x3e0: {  	[sflag:s16] =	ssyncadd.s32 $0xFFFFC000  }
0x3e1: {  	_ =	swait.ge [sflag:s16], $0x4000  }
0x3e2: {  	[sflag:s16] =	ssyncset.done $0x0  }
0x3e3: {  	[sflag:s16] =	ssyncadd.s32 $0xFFFFC000  }
0x3e4: {  	_ =	swait.ge [sflag:s16], $0x4000  }
0x3e5: {  	[sflag:s16] =	ssyncset.done $0x0  }
0x3e6: {  	[sflag:s16] =	ssyncadd.s32 $0xFFFFC000  }
0x3e7: {  	_ =	swait.ge [sflag:s16], $0x4000  }
0x3e8: {  	[sflag:s16] =	ssyncset.done $0x0  }
0x3e9: {  	[sflag:s16] =	ssyncadd.s32 $0xFFFFC000  }
0x3ea: {  	_ =	swait.ge [sflag:s17], $0x800  }
0x3eb: {  	[sflag:s17] =	ssyncset.done $0x0  }
0x3ec: {  	[sflag:s17] =	ssyncadd.s32 $0xFFFFF800  }
0x3ed: {  	_ =	swait.ge [sflag:s17], $0x800  }
0x3ee: {  	[sflag:s17] =	ssyncset.done $0x0  }
0x3ef: {  	[sflag:s17] =	ssyncadd.s32 $0xFFFFF800  }
0x3f0: {  	_ =	swait.ge [sflag:s17], $0x800  }
0x3f1: {  	[sflag:s17] =	ssyncset.done $0x0  }
0x3f2: {  	[sflag:s17] =	ssyncadd.s32 $0xFFFFF800  }
0x3f3: {  	_ =	swait.ge [sflag:s17], $0x800  }
0x3f4: {  	[sflag:s17] =	ssyncset.done $0x0  }
0x3f5: {  	[sflag:s17] =	ssyncadd.s32 $0xFFFFF800  }
0x3f6: {  	_ =	swait.ge [sflag:s17], $0x800  }
0x3f7: {  	[sflag:s17] =	ssyncset.done $0x0  }
0x3f8: {  	[sflag:s17] =	ssyncadd.s32 $0xFFFFF800  }
0x3f9: {  	_ =	swait.ge [sflag:s17], $0x800  }
0x3fa: {  	[sflag:s17] =	ssyncset.done $0x0  }
0x3fb: {  	[sflag:s17] =	ssyncadd.s32 $0xFFFFF800  }
0x3fc: {  	_ =	swait.ge [sflag:s17], $0x800  }
0x3fd: {  	[sflag:s17] =	ssyncset.done $0x0  }
0x3fe: {  	[sflag:s17] =	ssyncadd.s32 $0xFFFFF800  }
0x3ff: {  	_ =	swait.ge [sflag:s17], $0x800  }
0x400: {  	[sflag:s17] =	ssyncset.done $0x0  }
0x401: {  	[sflag:s17] =	ssyncadd.s32 $0xFFFFF800  }
0x402: {  	_ =	swait.ge [sflag:s17], $0x800  }
0x403: {  	[sflag:s17] =	ssyncset.done $0x0  }
0x404: {  	[sflag:s17] =	ssyncadd.s32 $0xFFFFF800  }
0x405: {  	_ =	swait.ge [sflag:s17], $0x800  }
0x406: {  	[sflag:s17] =	ssyncset.done $0x0  }
0x407: {  	[sflag:s17] =	ssyncadd.s32 $0xFFFFF800  }
0x408: {  	_ =	swait.ge [sflag:s17], $0x800  }
0x409: {  	[sflag:s17] =	ssyncset.done $0x0  }
0x40a: {  	[sflag:s17] =	ssyncadd.s32 $0xFFFFF800  }
0x40b: {  	_ =	swait.ge [sflag:s17], $0x800  }
0x40c: {  	[sflag:s17] =	ssyncset.done $0x0  }
0x40d: {  	[sflag:s17] =	ssyncadd.s32 $0xFFFFF800  }
0x40e: {  	_ =	swait.ge [sflag:s17], $0x800  }
0x40f: {  	[sflag:s17] =	ssyncset.done $0x0  }
0x410: {  	[sflag:s17] =	ssyncadd.s32 $0xFFFFF800  }
0x411: {  	_ =	swait.ge [sflag:s17], $0x800  }
0x412: {  	[sflag:s17] =	ssyncset.done $0x0  }
0x413: {  	[sflag:s17] =	ssyncadd.s32 $0xFFFFF800  }
0x414: {  	_ =	swait.ge [sflag:s17], $0x800  }
0x415: {  	[sflag:s17] =	ssyncset.done $0x0  }
0x416: {  	[sflag:s17] =	ssyncadd.s32 $0xFFFFF800  }
0x417: {  	_ =	swait.ge [sflag:s17], $0x800  }
0x418: {  	[sflag:s17] =	ssyncset.done $0x0  }
0x419: {  	[sflag:s17] =	ssyncadd.s32 $0xFFFFF800  }
0x41a: {  	_ =	swait.ge [sflag:s17], $0x800  }
0x41b: {  	[sflag:s17] =	ssyncset.done $0x0  }
0x41c: {  	[sflag:s17] =	ssyncadd.s32 $0xFFFFF800  }
0x41d: {  	_ =	swait.ge [sflag:s17], $0x800  }
0x41e: {  	[sflag:s17] =	ssyncset.done $0x0  }
0x41f: {  	[sflag:s17] =	ssyncadd.s32 $0xFFFFF800  }
0x420: {  	_ =	swait.ge [sflag:s17], $0x800  }
0x421: {  	[sflag:s17] =	ssyncset.done $0x0  }
0x422: {  	[sflag:s17] =	ssyncadd.s32 $0xFFFFF800  }
0x423: {  	_ =	swait.ge [sflag:s17], $0x800  }
0x424: {  	[sflag:s17] =	ssyncset.done $0x0  }
0x425: {  	[sflag:s17] =	ssyncadd.s32 $0xFFFFF800  }
0x426: {  	_ =	swait.ge [sflag:s17], $0x800  }
0x427: {  	[sflag:s17] =	ssyncset.done $0x0  }
0x428: {  	[sflag:s17] =	ssyncadd.s32 $0xFFFFF800  }
0x429: {  	_ =	swait.ge [sflag:s17], $0x800  }
0x42a: {  	[sflag:s17] =	ssyncset.done $0x0  }
0x42b: {  	[sflag:s17] =	ssyncadd.s32 $0xFFFFF800  }
0x42c: {  	_ =	swait.ge [sflag:s17], $0x800  }
0x42d: {  	[sflag:s17] =	ssyncset.done $0x0  }
0x42e: {  	[sflag:s17] =	ssyncadd.s32 $0xFFFFF800  }
0x42f: {  	_ =	swait.ge [sflag:s17], $0x800  }
0x430: {  	[sflag:s17] =	ssyncset.done $0x0  }
0x431: {  	[sflag:s17] =	ssyncadd.s32 $0xFFFFF800  }
0x432: {  	_ =	swait.ge [sflag:s17], $0x800  }
0x433: {  	[sflag:s17] =	ssyncset.done $0x0  }
0x434: {  	[sflag:s17] =	ssyncadd.s32 $0xFFFFF800  }
0x435: {  	_ =	swait.ge [sflag:s17], $0x800  }
0x436: {  	[sflag:s17] =	ssyncset.done $0x0  }
0x437: {  	[sflag:s17] =	ssyncadd.s32 $0xFFFFF800  }
0x438: {  	_ =	swait.ge [sflag:s17], $0x800  }
0x439: {  	[sflag:s17] =	ssyncset.done $0x0  }
0x43a: {  	[sflag:s17] =	ssyncadd.s32 $0xFFFFF800  }
0x43b: {  	_ =	swait.ge [sflag:s17], $0x800  }
0x43c: {  	[sflag:s17] =	ssyncset.done $0x0  }
0x43d: {  	[sflag:s17] =	ssyncadd.s32 $0xFFFFF800  }
0x43e: {  	_ =	swait.ge [sflag:s17], $0x800  }
0x43f: {  	[sflag:s17] =	ssyncset.done $0x0  }
0x440: {  	[sflag:s17] =	ssyncadd.s32 $0xFFFFF800  }
0x441: {  	_ =	swait.ge [sflag:s17], $0x800  }
0x442: {  	[sflag:s17] =	ssyncset.done $0x0  }
0x443: {  	[sflag:s17] =	ssyncadd.s32 $0xFFFFF800  }
0x444: {  	_ =	swait.ge [sflag:s17], $0x800  }
0x445: {  	s19 =	sshrl.u32 s12, $0x3;
	[sflag:s17] =	ssyncset.done $0x0  }
0x446: {  	s20 =	simm.s32 $0xF800;
	s19 =	sadd.s32 s1, s19;
	[sflag:s17] =	ssyncadd.s32 $0xFFFFF800  }
0x447: {  	[hbm4b:s19+s3] =	stream.linear.scatter [tilespmem:s20], [sflag:$0x3], $0x400, $0x38;
	[tilespmem:$0x1F000] =	vst v63  }
0x448: {  	s21 =	simm.s32 $0x10000;
	s22 =	sadd.s32 $0x80, s19  }
0x449: {  	[hbm4b:s22+s3] =	stream.linear.scatter [tilespmem:s21], [sflag:$0x3], $0x400, $0x38;
	[tilespmem:$0x1F000] =	vst v63  }
0x44a: {  	s23 =	simm.s32 $0x10800;
	s24 =	sadd.s32 $0x100, s19  }
0x44b: {  	[hbm4b:s24+s3] =	stream.linear.scatter [tilespmem:s23], [sflag:$0x3], $0x400, $0x38;
	[tilespmem:$0x1F000] =	vst v63  }
0x44c: {  	s25 =	simm.s32 $0x11000;
	s26 =	sadd.s32 $0x180, s19  }
0x44d: {  	[hbm4b:s26+s3] =	stream.linear.scatter [tilespmem:s25], [sflag:$0x3], $0x400, $0x38;
	[tilespmem:$0x1F000] =	vst v63  }
0x44e: {  	s28 =	simm.s32 $0x11800;
	s29 =	sadd.s32 $0x200, s19  }
0x44f: {  	[hbm4b:s29+s3] =	stream.linear.scatter [tilespmem:s28], [sflag:$0x3], $0x400, $0x38;
	[tilespmem:$0x1F000] =	vst v63  }
0x450: {  	s30 =	simm.s32 $0x12000;
	s31 =	sadd.s32 $0x280, s19  }
0x451: {  	[hbm4b:s31+s3] =	stream.linear.scatter [tilespmem:s30], [sflag:$0x3], $0x400, $0x38;
	[tilespmem:$0x1F000] =	vst v63  }
0x452: {  	s21 =	simm.s32 $0x12800;
	s22 =	sadd.s32 $0x300, s19  }
0x453: {  	[hbm4b:s22+s3] =	stream.linear.scatter [tilespmem:s21], [sflag:$0x3], $0x400, $0x38;
	[tilespmem:$0x1F000] =	vst v63  }
0x454: {  	s23 =	simm.s32 $0x13000;
	s24 =	sadd.s32 $0x380, s19  }
0x455: {  	[hbm4b:s24+s3] =	stream.linear.scatter [tilespmem:s23], [sflag:$0x3], $0x400, $0x38;
	[tilespmem:$0x1F000] =	vst v63  }
0x456: {  	s25 =	simm.s32 $0x13800;
	s26 =	sadd.s32 $0x400, s19  }
0x457: {  	[hbm4b:s26+s3] =	stream.linear.scatter [tilespmem:s25], [sflag:$0x3], $0x400, $0x38;
	[tilespmem:$0x1F000] =	vst v63  }
0x458: {  	s28 =	simm.s32 $0x14000;
	s29 =	sadd.s32 $0x480, s19  }
0x459: {  	[hbm4b:s29+s3] =	stream.linear.scatter [tilespmem:s28], [sflag:$0x3], $0x400, $0x38;
	[tilespmem:$0x1F000] =	vst v63  }
0x45a: {  	s30 =	simm.s32 $0x14800;
	s31 =	sadd.s32 $0x500, s19  }
0x45b: {  	[hbm4b:s31+s3] =	stream.linear.scatter [tilespmem:s30], [sflag:$0x3], $0x400, $0x38;
	[tilespmem:$0x1F000] =	vst v63  }
0x45c: {  	s21 =	simm.s32 $0x15000;
	s22 =	sadd.s32 $0x580, s19  }
0x45d: {  	[hbm4b:s22+s3] =	stream.linear.scatter [tilespmem:s21], [sflag:$0x3], $0x400, $0x38;
	[tilespmem:$0x1F000] =	vst v63  }
0x45e: {  	s23 =	simm.s32 $0x15800;
	s24 =	sadd.s32 $0x600, s19  }
0x45f: {  	[hbm4b:s24+s3] =	stream.linear.scatter [tilespmem:s23], [sflag:$0x3], $0x400, $0x38;
	[tilespmem:$0x1F000] =	vst v63  }
0x460: {  	s25 =	simm.s32 $0x16000;
	s26 =	sadd.s32 $0x680, s19  }
0x461: {  	[hbm4b:s26+s3] =	stream.linear.scatter [tilespmem:s25], [sflag:$0x3], $0x400, $0x38;
	[tilespmem:$0x1F000] =	vst v63  }
0x462: {  	s28 =	simm.s32 $0x16800;
	s29 =	sadd.s32 $0x700, s19;
	s31 =	sadd.s32 $0x4000, s12  }
0x463: {  	[hbm4b:s29+s3] =	stream.linear.scatter [tilespmem:s28], [sflag:$0x3], $0x400, $0x38;
	[tilespmem:$0x1F000] =	vst v63  }
0x464: {  	s19 =	sadd.s32 $0x780, s19;
	s30 =	simm.s32 $0x17000;
	s21 =	sshrl.u32 s31, $0x3  }
0x465: {  	[hbm4b:s19+s3] =	stream.linear.scatter [tilespmem:s30], [sflag:$0x3], $0x400, $0x38;
	[tilespmem:$0x1F000] =	vst v63  }
0x466: {  	s22 =	simm.s32 $0xFC00;
	s19 =	sadd.s32 s1, s21  }
0x467: {  	[hbm4b:s19+s3] =	stream.linear.scatter [tilespmem:s22], [sflag:$0x3], $0x400, $0x38;
	[tilespmem:$0x1F000] =	vst v63  }
0x468: {  	s23 =	simm.s32 $0x10400;
	s24 =	sadd.s32 $0x80, s19  }
0x469: {  	[hbm4b:s24+s3] =	stream.linear.scatter [tilespmem:s23], [sflag:$0x3], $0x400, $0x38;
	[tilespmem:$0x1F000] =	vst v63  }
0x46a: {  	s25 =	simm.s32 $0x10C00;
	s26 =	sadd.s32 $0x100, s19  }
0x46b: {  	[hbm4b:s26+s3] =	stream.linear.scatter [tilespmem:s25], [sflag:$0x3], $0x400, $0x38;
	[tilespmem:$0x1F000] =	vst v63  }
0x46c: {  	s28 =	simm.s32 $0x11400;
	s29 =	sadd.s32 $0x180, s19  }
0x46d: {  	[hbm4b:s29+s3] =	stream.linear.scatter [tilespmem:s28], [sflag:$0x3], $0x400, $0x38;
	[tilespmem:$0x1F000] =	vst v63  }
0x46e: {  	s30 =	simm.s32 $0x11C00;
	s31 =	sadd.s32 $0x200, s19  }
0x46f: {  	[hbm4b:s31+s3] =	stream.linear.scatter [tilespmem:s30], [sflag:$0x3], $0x400, $0x38;
	[tilespmem:$0x1F000] =	vst v63  }
0x470: {  	s21 =	simm.s32 $0x12400;
	s22 =	sadd.s32 $0x280, s19  }
0x471: {  	[hbm4b:s22+s3] =	stream.linear.scatter [tilespmem:s21], [sflag:$0x3], $0x400, $0x38;
	[tilespmem:$0x1F000] =	vst v63  }
0x472: {  	s23 =	simm.s32 $0x12C00;
	s24 =	sadd.s32 $0x300, s19  }
0x473: {  	[hbm4b:s24+s3] =	stream.linear.scatter [tilespmem:s23], [sflag:$0x3], $0x400, $0x38;
	[tilespmem:$0x1F000] =	vst v63  }
0x474: {  	s25 =	simm.s32 $0x13400;
	s26 =	sadd.s32 $0x380, s19  }
0x475: {  	[hbm4b:s26+s3] =	stream.linear.scatter [tilespmem:s25], [sflag:$0x3], $0x400, $0x38;
	[tilespmem:$0x1F000] =	vst v63  }
0x476: {  	s28 =	simm.s32 $0x13C00;
	s29 =	sadd.s32 $0x400, s19  }
0x477: {  	[hbm4b:s29+s3] =	stream.linear.scatter [tilespmem:s28], [sflag:$0x3], $0x400, $0x38;
	[tilespmem:$0x1F000] =	vst v63  }
0x478: {  	s30 =	simm.s32 $0x14400;
	s31 =	sadd.s32 $0x480, s19  }
0x479: {  	[hbm4b:s31+s3] =	stream.linear.scatter [tilespmem:s30], [sflag:$0x3], $0x400, $0x38;
	[tilespmem:$0x1F000] =	vst v63  }
0x47a: {  	s21 =	simm.s32 $0x14C00;
	s22 =	sadd.s32 $0x500, s19  }
0x47b: {  	[hbm4b:s22+s3] =	stream.linear.scatter [tilespmem:s21], [sflag:$0x3], $0x400, $0x38;
	[tilespmem:$0x1F000] =	vst v63  }
0x47c: {  	s23 =	simm.s32 $0x15400;
	s24 =	sadd.s32 $0x580, s19;
	s25 =	simm.s32 $0x15C00  }
0x47d: {  	[hbm4b:s24+s3] =	stream.linear.scatter [tilespmem:s23], [sflag:$0x3], $0x400, $0x38;
	[tilespmem:$0x1F000] =	vst v63  }
0x47e: {  	s26 =	sadd.s32 $0x600, s19;
	s28 =	simm.s32 $0x16400;
	s29 =	sadd.s32 $0x680, s19  }
0x47f: {  	[hbm4b:s26+s3] =	stream.linear.scatter [tilespmem:s25], [sflag:$0x3], $0x400, $0x38;
	[tilespmem:$0x1F000] =	vst v63  }
0x480: {  	s30 =	simm.s32 $0x16C00;
	s31 =	sadd.s32 $0x700, s19;
	s22 =	sadd.s32 $0x780, s19  }
0x481: {  	[hbm4b:s29+s3] =	stream.linear.scatter [tilespmem:s28], [sflag:$0x3], $0x400, $0x38;
	[tilespmem:$0x1F000] =	vst v63  }
0x482: {  	s19 =	sadd.s32 $0xFFC00000, s12;
	s24 =	simm.s32 $0x2000;
	s23 =	simm.s32 $0x17400  }
0x483: {  	[hbm4b:s31+s3] =	stream.linear.scatter [tilespmem:s30], [sflag:$0x3], $0x400, $0x38;
	[tilespmem:$0x1F000] =	vst v63  }
.LBB2_16:
0x484: {  	s20 =	smov.u32 s24  }
0x485: {  	s25 =	sshrl.u32 s19, $0x3;
	s21 =	sshra.s32 s24, $0x2;
	s20 =	sadd.s32 $0x2000, s24  }
0x486: {  	[hbm4b:s22+s3] =	stream.linear.scatter [tilespmem:s23], [sflag:$0x3], $0x400, $0x38;
	[tilespmem:$0x1F000] =	vst v63  }
0x487: {  	p0 =	sne.s32 s24, $0x1E000;
	s22 =	sadd.s32 s1, s25;
	s23 =	sadd.s32 $0xF800, s21  }
0x488: {  	[hbm4b:s22+s3] =	stream.linear.scatter [tilespmem:s23], [sflag:$0x3], $0x400, $0x38;
	[tilespmem:$0x1F000] =	vst v63  }
0x489: {  	s24 =	sadd.s32 $0x80, s22;
	s23 =	sadd.s32 $0x10000, s21  }
0x48a: {  	[hbm4b:s24+s3] =	stream.linear.scatter [tilespmem:s23], [sflag:$0x3], $0x400, $0x38;
	[tilespmem:$0x1F000] =	vst v63  }
0x48b: {  	s23 =	sadd.s32 $0x10800, s21;
	s24 =	sadd.s32 $0x100, s22  }
0x48c: {  	[hbm4b:s24+s3] =	stream.linear.scatter [tilespmem:s23], [sflag:$0x3], $0x400, $0x38;
	[tilespmem:$0x1F000] =	vst v63  }
0x48d: {  	s23 =	sadd.s32 $0x11000, s21;
	s24 =	sadd.s32 $0x180, s22  }
0x48e: {  	[hbm4b:s24+s3] =	stream.linear.scatter [tilespmem:s23], [sflag:$0x3], $0x400, $0x38;
	[tilespmem:$0x1F000] =	vst v63  }
0x48f: {  	s23 =	sadd.s32 $0x11800, s21;
	s24 =	sadd.s32 $0x200, s22  }
0x490: {  	[hbm4b:s24+s3] =	stream.linear.scatter [tilespmem:s23], [sflag:$0x3], $0x400, $0x38;
	[tilespmem:$0x1F000] =	vst v63  }
0x491: {  	s23 =	sadd.s32 $0x12000, s21;
	s24 =	sadd.s32 $0x280, s22  }
0x492: {  	[hbm4b:s24+s3] =	stream.linear.scatter [tilespmem:s23], [sflag:$0x3], $0x400, $0x38;
	[tilespmem:$0x1F000] =	vst v63  }
0x493: {  	s23 =	sadd.s32 $0x12800, s21;
	s24 =	sadd.s32 $0x300, s22  }
0x494: {  	[hbm4b:s24+s3] =	stream.linear.scatter [tilespmem:s23], [sflag:$0x3], $0x400, $0x38;
	[tilespmem:$0x1F000] =	vst v63  }
0x495: {  	s23 =	sadd.s32 $0x13000, s21;
	s24 =	sadd.s32 $0x380, s22  }
0x496: {  	[hbm4b:s24+s3] =	stream.linear.scatter [tilespmem:s23], [sflag:$0x3], $0x400, $0x38;
	[tilespmem:$0x1F000] =	vst v63  }
0x497: {  	s23 =	sadd.s32 $0x13800, s21;
	s24 =	sadd.s32 $0x400, s22  }
0x498: {  	[hbm4b:s24+s3] =	stream.linear.scatter [tilespmem:s23], [sflag:$0x3], $0x400, $0x38;
	[tilespmem:$0x1F000] =	vst v63  }
0x499: {  	s23 =	sadd.s32 $0x14000, s21;
	s24 =	sadd.s32 $0x480, s22  }
0x49a: {  	[hbm4b:s24+s3] =	stream.linear.scatter [tilespmem:s23], [sflag:$0x3], $0x400, $0x38;
	[tilespmem:$0x1F000] =	vst v63  }
0x49b: {  	s23 =	sadd.s32 $0x14800, s21;
	s24 =	sadd.s32 $0x500, s22  }
0x49c: {  	[hbm4b:s24+s3] =	stream.linear.scatter [tilespmem:s23], [sflag:$0x3], $0x400, $0x38;
	[tilespmem:$0x1F000] =	vst v63  }
0x49d: {  	s23 =	sadd.s32 $0x15000, s21;
	s24 =	sadd.s32 $0x580, s22  }
0x49e: {  	[hbm4b:s24+s3] =	stream.linear.scatter [tilespmem:s23], [sflag:$0x3], $0x400, $0x38;
	[tilespmem:$0x1F000] =	vst v63  }
0x49f: {  	s23 =	sadd.s32 $0x15800, s21;
	s24 =	sadd.s32 $0x600, s22  }
0x4a0: {  	[hbm4b:s24+s3] =	stream.linear.scatter [tilespmem:s23], [sflag:$0x3], $0x400, $0x38;
	[tilespmem:$0x1F000] =	vst v63  }
0x4a1: {  	s23 =	sadd.s32 $0x16000, s21;
	s24 =	sadd.s32 $0x680, s22  }
0x4a2: {  	[hbm4b:s24+s3] =	stream.linear.scatter [tilespmem:s23], [sflag:$0x3], $0x400, $0x38;
	[tilespmem:$0x1F000] =	vst v63  }
0x4a3: {  	s23 =	sadd.s32 $0x16800, s21;
	s24 =	sadd.s32 $0x700, s22  }
0x4a4: {  	[hbm4b:s24+s3] =	stream.linear.scatter [tilespmem:s23], [sflag:$0x3], $0x400, $0x38;
	[tilespmem:$0x1F000] =	vst v63  }
0x4a5: {  	s22 =	sadd.s32 $0x780, s22;
	s23 =	sadd.s32 $0x17000, s21;
	s24 =	sadd.s32 $0x4000, s19  }
0x4a6: {  	[hbm4b:s22+s3] =	stream.linear.scatter [tilespmem:s23], [sflag:$0x3], $0x400, $0x38;
	[tilespmem:$0x1F000] =	vst v63  }
0x4a7: {  	s22 =	sshrl.u32 s24, $0x3  }
0x4a8: {  	s23 =	sadd.s32 $0xFC00, s21;
	s24 =	sadd.s32 $0x10400, s21;
	s22 =	sadd.s32 s1, s22  }
0x4a9: {  	[hbm4b:s22+s3] =	stream.linear.scatter [tilespmem:s23], [sflag:$0x3], $0x400, $0x38;
	[tilespmem:$0x1F000] =	vst v63  }
0x4aa: {  	s25 =	sadd.s32 $0x10C00, s21;
	s26 =	sadd.s32 $0x100, s22;
	s23 =	sadd.s32 $0x80, s22  }
0x4ab: {  	[hbm4b:s23+s3] =	stream.linear.scatter [tilespmem:s24], [sflag:$0x3], $0x400, $0x38;
	[tilespmem:$0x1F000] =	vst v63  }
0x4ac: {  	s23 =	sadd.s32 $0x11400, s21;
	s24 =	sadd.s32 $0x180, s22  }
0x4ad: {  	[hbm4b:s26+s3] =	stream.linear.scatter [tilespmem:s25], [sflag:$0x3], $0x400, $0x38;
	[tilespmem:$0x1F000] =	vst v63  }
0x4ae: {  	s25 =	sadd.s32 $0x11C00, s21;
	s26 =	sadd.s32 $0x200, s22  }
0x4af: {  	[hbm4b:s24+s3] =	stream.linear.scatter [tilespmem:s23], [sflag:$0x3], $0x400, $0x38;
	[tilespmem:$0x1F000] =	vst v63  }
0x4b0: {  	s23 =	sadd.s32 $0x12400, s21;
	s24 =	sadd.s32 $0x280, s22  }
0x4b1: {  	[hbm4b:s26+s3] =	stream.linear.scatter [tilespmem:s25], [sflag:$0x3], $0x400, $0x38;
	[tilespmem:$0x1F000] =	vst v63  }
0x4b2: {  	s25 =	sadd.s32 $0x12C00, s21;
	s26 =	sadd.s32 $0x300, s22  }
0x4b3: {  	[hbm4b:s24+s3] =	stream.linear.scatter [tilespmem:s23], [sflag:$0x3], $0x400, $0x38;
	[tilespmem:$0x1F000] =	vst v63  }
0x4b4: {  	s23 =	sadd.s32 $0x13400, s21;
	s24 =	sadd.s32 $0x380, s22  }
0x4b5: {  	[hbm4b:s26+s3] =	stream.linear.scatter [tilespmem:s25], [sflag:$0x3], $0x400, $0x38;
	[tilespmem:$0x1F000] =	vst v63  }
0x4b6: {  	s25 =	sadd.s32 $0x13C00, s21;
	s26 =	sadd.s32 $0x400, s22  }
0x4b7: {  	[hbm4b:s24+s3] =	stream.linear.scatter [tilespmem:s23], [sflag:$0x3], $0x400, $0x38;
	[tilespmem:$0x1F000] =	vst v63  }
0x4b8: {  	s23 =	sadd.s32 $0x14400, s21;
	s24 =	sadd.s32 $0x480, s22  }
0x4b9: {  	[hbm4b:s26+s3] =	stream.linear.scatter [tilespmem:s25], [sflag:$0x3], $0x400, $0x38;
	[tilespmem:$0x1F000] =	vst v63  }
0x4ba: {  	s25 =	sadd.s32 $0x14C00, s21;
	s26 =	sadd.s32 $0x500, s22  }
0x4bb: {  	[hbm4b:s24+s3] =	stream.linear.scatter [tilespmem:s23], [sflag:$0x3], $0x400, $0x38;
	[tilespmem:$0x1F000] =	vst v63  }
0x4bc: {  	s23 =	sadd.s32 $0x15400, s21;
	s24 =	sadd.s32 $0x580, s22  }
0x4bd: {  	[hbm4b:s26+s3] =	stream.linear.scatter [tilespmem:s25], [sflag:$0x3], $0x400, $0x38;
	[tilespmem:$0x1F000] =	vst v63  }
0x4be: {  	s25 =	sadd.s32 $0x15C00, s21;
	s26 =	sadd.s32 $0x600, s22  }
0x4bf: {  	[hbm4b:s24+s3] =	stream.linear.scatter [tilespmem:s23], [sflag:$0x3], $0x400, $0x38;
	[tilespmem:$0x1F000] =	vst v63  }
0x4c0: {  	s23 =	sadd.s32 $0x16400, s21;
	s24 =	sadd.s32 $0x680, s22  }
0x4c1: {  	[hbm4b:s26+s3] =	stream.linear.scatter [tilespmem:s25], [sflag:$0x3], $0x400, $0x38;
	[tilespmem:$0x1F000] =	vst v63  }
.Ltmp7:
0x4c2: {  	_ = 	snop;
	(pc) =	sbr.rel @p0 .LBB2_16-.Ltmp7, $4  }
0x4c3: {  	s19 =	sadd.s32 $0xFFC00000, s19;
	s25 =	sadd.s32 $0x16C00, s21;
	s26 =	sadd.s32 $0x700, s22  }
0x4c4: {  	[hbm4b:s24+s3] =	stream.linear.scatter [tilespmem:s23], [sflag:$0x3], $0x400, $0x38;
	[tilespmem:$0x1F000] =	vst v63  }
0x4c5: {  	s22 =	sadd.s32 $0x780, s22;
	s23 =	sadd.s32 $0x17400, s21;
	s24 =	smov.u32 s20  }
0x4c6: {  	[hbm4b:s26+s3] =	stream.linear.scatter [tilespmem:s25], [sflag:$0x3], $0x400, $0x38;
	[tilespmem:$0x1F000] =	vst v63  }
0x4c7: {  	[hbm4b:s22+s3] =	stream.linear.scatter [tilespmem:s23], [sflag:$0x3], $0x400, $0x38;
	[tilespmem:$0x1F000] =	vst v63  }
0x4c8: {  	_ =	swait.ge [sflag:s16], $0x4000  }
0x4c9: {  	[sflag:s16] =	ssyncset.done $0x0  }
0x4ca: {  	[sflag:s16] =	ssyncadd.s32 $0xFFFFC000  }
0x4cb: {  	_ =	swait.ge [sflag:s16], $0x4000  }
0x4cc: {  	[sflag:s16] =	ssyncset.done $0x0  }
0x4cd: {  	[sflag:s16] =	ssyncadd.s32 $0xFFFFC000  }
0x4ce: {  	_ =	swait.ge [sflag:s16], $0x4000  }
0x4cf: {  	[sflag:s16] =	ssyncset.done $0x0  }
0x4d0: {  	[sflag:s16] =	ssyncadd.s32 $0xFFFFC000  }
0x4d1: {  	_ =	swait.ge [sflag:s16], $0x4000  }
0x4d2: {  	[sflag:s16] =	ssyncset.done $0x0  }
0x4d3: {  	[sflag:s16] =	ssyncadd.s32 $0xFFFFC000  }
0x4d4: {  	_ =	swait.ge [sflag:s16], $0x4000  }
0x4d5: {  	[sflag:s16] =	ssyncset.done $0x0  }
0x4d6: {  	[sflag:s16] =	ssyncadd.s32 $0xFFFFC000  }
0x4d7: {  	_ =	swait.ge [sflag:s16], $0x4000  }
0x4d8: {  	[sflag:s16] =	ssyncset.done $0x0  }
0x4d9: {  	[sflag:s16] =	ssyncadd.s32 $0xFFFFC000  }
0x4da: {  	_ =	swait.ge [sflag:s16], $0x4000  }
0x4db: {  	[sflag:s16] =	ssyncset.done $0x0  }
0x4dc: {  	[sflag:s16] =	ssyncadd.s32 $0xFFFFC000  }
0x4dd: {  	_ =	swait.ge [sflag:s16], $0x4000  }
0x4de: {  	[sflag:s16] =	ssyncset.done $0x0  }
0x4df: {  	[sflag:s16] =	ssyncadd.s32 $0xFFFFC000  }
0x4e0: {  	_ =	swait.ge [sflag:s16], $0x4000  }
0x4e1: {  	[sflag:s16] =	ssyncset.done $0x0  }
0x4e2: {  	[sflag:s16] =	ssyncadd.s32 $0xFFFFC000  }
0x4e3: {  	_ =	swait.ge [sflag:s16], $0x4000  }
0x4e4: {  	[sflag:s16] =	ssyncset.done $0x0  }
0x4e5: {  	[sflag:s16] =	ssyncadd.s32 $0xFFFFC000  }
0x4e6: {  	_ =	swait.ge [sflag:s16], $0x4000  }
0x4e7: {  	[sflag:s16] =	ssyncset.done $0x0  }
0x4e8: {  	[sflag:s16] =	ssyncadd.s32 $0xFFFFC000  }
0x4e9: {  	_ =	swait.ge [sflag:s16], $0x4000  }
0x4ea: {  	[sflag:s16] =	ssyncset.done $0x0  }
0x4eb: {  	[sflag:s16] =	ssyncadd.s32 $0xFFFFC000  }
0x4ec: {  	_ =	swait.ge [sflag:s16], $0x4000  }
0x4ed: {  	[sflag:s16] =	ssyncset.done $0x0  }
0x4ee: {  	[sflag:s16] =	ssyncadd.s32 $0xFFFFC000  }
0x4ef: {  	_ =	swait.ge [sflag:s16], $0x4000  }
0x4f0: {  	[sflag:s16] =	ssyncset.done $0x0  }
0x4f1: {  	[sflag:s16] =	ssyncadd.s32 $0xFFFFC000  }
0x4f2: {  	_ =	swait.ge [sflag:s16], $0x4000  }
0x4f3: {  	[sflag:s16] =	ssyncset.done $0x0  }
0x4f4: {  	[sflag:s16] =	ssyncadd.s32 $0xFFFFC000  }
0x4f5: {  	_ =	swait.ge [sflag:s16], $0x4000  }
0x4f6: {  	[sflag:s16] =	ssyncset.done $0x0  }
0x4f7: {  	[sflag:s16] =	ssyncadd.s32 $0xFFFFC000  }
0x4f8: {  	_ =	swait.ge [sflag:s16], $0x4000  }
0x4f9: {  	[sflag:s16] =	ssyncset.done $0x0  }
0x4fa: {  	[sflag:s16] =	ssyncadd.s32 $0xFFFFC000  }
0x4fb: {  	_ =	swait.ge [sflag:s16], $0x4000  }
0x4fc: {  	[sflag:s16] =	ssyncset.done $0x0  }
0x4fd: {  	[sflag:s16] =	ssyncadd.s32 $0xFFFFC000  }
0x4fe: {  	_ =	swait.ge [sflag:s16], $0x4000  }
0x4ff: {  	[sflag:s16] =	ssyncset.done $0x0  }
0x500: {  	[sflag:s16] =	ssyncadd.s32 $0xFFFFC000  }
0x501: {  	_ =	swait.ge [sflag:s16], $0x4000  }
0x502: {  	[sflag:s16] =	ssyncset.done $0x0  }
0x503: {  	[sflag:s16] =	ssyncadd.s32 $0xFFFFC000  }
0x504: {  	_ =	swait.ge [sflag:s16], $0x4000  }
0x505: {  	[sflag:s16] =	ssyncset.done $0x0  }
0x506: {  	[sflag:s16] =	ssyncadd.s32 $0xFFFFC000  }
0x507: {  	_ =	swait.ge [sflag:s16], $0x4000  }
0x508: {  	[sflag:s16] =	ssyncset.done $0x0  }
0x509: {  	[sflag:s16] =	ssyncadd.s32 $0xFFFFC000  }
0x50a: {  	_ =	swait.ge [sflag:s16], $0x4000  }
0x50b: {  	[sflag:s16] =	ssyncset.done $0x0  }
0x50c: {  	[sflag:s16] =	ssyncadd.s32 $0xFFFFC000  }
0x50d: {  	_ =	swait.ge [sflag:s16], $0x4000  }
0x50e: {  	[sflag:s16] =	ssyncset.done $0x0  }
0x50f: {  	[sflag:s16] =	ssyncadd.s32 $0xFFFFC000  }
0x510: {  	_ =	swait.ge [sflag:s16], $0x4000  }
0x511: {  	[sflag:s16] =	ssyncset.done $0x0  }
0x512: {  	[sflag:s16] =	ssyncadd.s32 $0xFFFFC000  }
0x513: {  	_ =	swait.ge [sflag:s16], $0x4000  }
0x514: {  	[sflag:s16] =	ssyncset.done $0x0  }
0x515: {  	[sflag:s16] =	ssyncadd.s32 $0xFFFFC000  }
0x516: {  	_ =	swait.ge [sflag:s16], $0x4000  }
0x517: {  	[sflag:s16] =	ssyncset.done $0x0  }
0x518: {  	[sflag:s16] =	ssyncadd.s32 $0xFFFFC000  }
0x519: {  	_ =	swait.ge [sflag:s16], $0x4000  }
0x51a: {  	[sflag:s16] =	ssyncset.done $0x0  }
0x51b: {  	[sflag:s16] =	ssyncadd.s32 $0xFFFFC000  }
0x51c: {  	_ =	swait.ge [sflag:s16], $0x4000  }
0x51d: {  	[sflag:s16] =	ssyncset.done $0x0  }
0x51e: {  	[sflag:s16] =	ssyncadd.s32 $0xFFFFC000  }
0x51f: {  	_ =	swait.ge [sflag:s16], $0x4000  }
0x520: {  	[sflag:s16] =	ssyncset.done $0x0  }
0x521: {  	s18 =	sadd.s32 $0x1, s18;
	[sflag:s16] =	ssyncadd.s32 $0xFFFFC000  }
0x522: {  	p0 =	sne.s32 s18, s4;
	_ =	swait.ge [sflag:s16], $0x4000  }
.Ltmp8:
0x523: {  	[sflag:s16] =	ssyncset.done $0x0;
	(pc) =	sbr.rel @p0 .LBB2_1-.Ltmp8, $4  }
0x524: {  	[sflag:s16] =	ssyncadd.s32 $0xFFFFC000  }
0x525: {  	_ =	swait.ge [sflag:s16], $0x4000  }
0x526: {  	[sflag:s16] =	ssyncset.done $0x0  }
0x527: {  	[sflag:s16] =	ssyncadd.s32 $0xFFFFC000  }
0x528: {  	_ =	sfence.sel $0x180000  }
0x529: {  	[bflag:$0x0] =	sbarrier.arrive $0xFFFF  }
0x52a: {  	p0 =	sne.s32 s2, $0x0;
	_ =	strace $0x90000047  }
0x52b: {  	s0 =	sadd.s32 @!p0 $0x100000, s0;
	[bflag:$0x2] =	sbarrier.arrive $0xFFFF  }
0x52c: {  	[sflag:s0] =	ssyncadd.tile.s32 @!p0 $0x1;
	_ =	shalt  }
.Lfunc_end2:
_tile_overlayer_lowered:
.L_overlay_start_2:
0x52d: {  	(tag) =	ssettag $0x2  }
0x52e: {  	s0 =	rddreg [dreg:$0x0];
	s2 =	stileid.u32  }
0x52f: {  	s1 =	rddreg [dreg:$0x1];
	p0 =	sne.s32 s2, $0x0  }
0x530: {  	s3 =	rddreg [dreg:$0x2];
	[bflag:$0x3] =	sbarrier.arrive $0xFFFF;
	s2 =	simm.s32 @!p0 $0x1C04  }
0x531: {  	[timem:s3], [sflag:s2] =	dma.local @!p0 [hbm:s0], s1  }
0x532: {  	s0 =	simm.s32 @!p0 $0x4  }
0x533: {  	_ =	swait.ge @!p0 [sflag:s0], s1  }
0x534: {  	s1 =	ssub.s32 @!p0 $0x0, s1;
	[sflag:s0] =	ssyncset.done @!p0 $0x0  }
0x535: {  	[sflag:s0] =	ssyncadd.s32 @!p0 s1  }
0x536: {  	[bflag:$0x3] =	sbarrier.arrive $0xFFFF  }
0x537: {  	_ =	shalt  }

</sc_bundles>
